<compile_context>
chip_gen: v7x
topology: tpu7x:2x2x1
jax: 0.10.2.dev20260603
libtpu: 0.0.44.dev20260713+nightly
codegen_flags: <defaults>
</compile_context>

<pallas_src>
import functools

import jax
import jax.numpy as jnp
from jax import lax
from jax.experimental import pallas as pl
from jax.experimental.pallas import tpu as pltpu
from jax.experimental.pallas import tpu_sc as plsc

N = 10000
D = 128
EMB = 256
H = 128
E = 320000

TILES = 16
CHUNK = 120
N_CHUNKS = 167
EDGES_PER_TILE = N_CHUNKS * CHUNK
E_PAD = EDGES_PER_TILE * TILES
STRIPE = 632
N_PAD = STRIPE * TILES
NBUF = 3
IBUF = 8
IDX_ROWS_PER_CORE = TILES * N_CHUNKS * 2

_F32 = jnp.float32
_I32 = jnp.int32


def _sc_agg_body(h_hbm, idx_hbm, zeros_hbm, out_hbm,
                 idx_v, rows, acc, si, sg, ss):
    c = lax.axis_index("c")
    s = lax.axis_index("s")

    def idx_start(g, bi):
        row0 = c * IDX_ROWS_PER_CORE + (s * N_CHUNKS + g) * 2
        pltpu.async_copy(idx_hbm.at[pl.ds(row0, 2)], idx_v.at[bi], si.at[bi])

    def idx_wait(bi):
        pltpu.make_async_copy(idx_hbm.at[pl.ds(0, 2)], idx_v.at[bi],
                              si.at[bi]).wait()

    def gather_start(b, bi):
        pltpu.async_copy(h_hbm.at[idx_v.at[bi, 0]], rows.at[b], sg.at[b])

    def gather_wait(b):
        pltpu.make_async_copy(h_hbm.at[idx_v.at[0, 0]], rows.at[b],
                              sg.at[b]).wait()

    def scatter_start(b, bi):
        pltpu.async_copy(rows.at[b], acc.at[idx_v.at[bi, 1]], ss.at[b],
                         add=True)

    def scatter_wait(b):
        pltpu.make_async_copy(rows.at[b], acc.at[idx_v.at[0, 1]],
                              ss.at[b]).wait()

    zcp = pltpu.async_copy(zeros_hbm, acc.at[pl.ds(s * STRIPE, STRIPE)],
                           ss.at[0])
    for k in range(3):
        idx_start(k, k)
    for k in range(2):
        idx_wait(k)
        gather_start(k, k)
    zcp.wait()
    plsc.subcore_barrier()


    def round_(g, carry):
        b = lax.rem(g, NBUF)
        bp = lax.rem(g - 1, NBUF)
        bf = lax.rem(g + 2, NBUF)
        bi = lax.rem(g, IBUF)
        bif = lax.rem(g + 2, IBUF)
        bin_ = lax.rem(g + 3, IBUF)
        gather_wait(b)
        scatter_start(b, bi)

        @pl.when(g >= 1)
        def _():
            scatter_wait(bp)

        @pl.when(g + 3 < N_CHUNKS)
        def _():
            idx_start(g + 3, bin_)

        @pl.when(g + 2 < N_CHUNKS)
        def _():
            idx_wait(bif)
            gather_start(bf, bif)
        return carry

    lax.fori_loop(0, N_CHUNKS, round_, 0)
    scatter_wait((N_CHUNKS - 1) % NBUF)

    plsc.subcore_barrier()
    pltpu.sync_copy(acc.at[pl.ds(s * STRIPE, STRIPE)],
                    out_hbm.at[pl.ds(c * N_PAD + s * STRIPE, STRIPE)])


_sc_agg = pl.kernel(
    _sc_agg_body,
    mesh=plsc.VectorSubcoreMesh(core_axis_name="c", subcore_axis_name="s"),
    out_type=jax.ShapeDtypeStruct((2 * N_PAD, H), _F32),
    scratch_types=[
        pltpu.VMEM((IBUF, 2, CHUNK), _I32),
        pltpu.VMEM((NBUF, CHUNK, H), _F32),
        pltpu.VMEM_SHARED((N_PAD, H), _F32),
        pltpu.SemaphoreType.DMA((IBUF,)),
        pltpu.SemaphoreType.DMA((NBUF,)),
        pltpu.SemaphoreType.DMA((NBUF,)),
    ],
)


_ROWS = 1000


def _proj_body(x_ref, w_ref, b_ref, out_ref):
    res = jnp.dot(x_ref[...], w_ref[...], preferred_element_type=_F32)
    res = res + b_ref[...]
    out_ref[0] = res[:, :H]
    out_ref[1] = res[:, H:]


_proj = pl.pallas_call(
    _proj_body,
    grid=(N // _ROWS,),
    in_specs=[
        pl.BlockSpec((_ROWS, D), lambda i: (i, 0)),
        pl.BlockSpec((D, EMB), lambda i: (0, 0)),
        pl.BlockSpec((1, EMB), lambda i: (0, 0)),
    ],
    out_specs=pl.BlockSpec((2, _ROWS, H), lambda i: (0, i, 0)),
    out_shape=jax.ShapeDtypeStruct((2, N, H), _F32),
)


def _part_body(h_ref, wr_ref, b_ref, out_ref):
    res = (jnp.dot(h_ref[0], wr_ref[:H, :], preferred_element_type=_F32)
           + jnp.dot(h_ref[1], wr_ref[H:, :], preferred_element_type=_F32)
           + b_ref[...])
    out_ref[0] = res[:, :H]
    out_ref[1] = res[:, H:]


_part = pl.pallas_call(
    _part_body,
    grid=(N // _ROWS,),
    in_specs=[
        pl.BlockSpec((2, _ROWS, H), lambda i: (0, i, 0)),
        pl.BlockSpec((EMB, EMB), lambda i: (0, 0)),
        pl.BlockSpec((1, EMB), lambda i: (0, 0)),
    ],
    out_specs=pl.BlockSpec((2, _ROWS, H), lambda i: (0, i, 0)),
    out_shape=jax.ShapeDtypeStruct((2, N, H), _F32),
)


def _fin_body(p_ref, a_ref, wn_ref, out_ref, *, relu, split):
    res = (jnp.concatenate([p_ref[0], p_ref[1]], axis=1)
           + jnp.dot(a_ref[0], wn_ref[:H, :], preferred_element_type=_F32)
           + jnp.dot(a_ref[1], wn_ref[H:, :], preferred_element_type=_F32))
    if relu:
        res = jnp.maximum(res, 0.0)
    if split:
        out_ref[0] = res[:, :H]
        out_ref[1] = res[:, H:]
    else:
        out_ref[...] = res


def _make_fin(relu, split):
    if split:
        out_spec = pl.BlockSpec((2, _ROWS, H), lambda i: (0, i, 0))
        out_shape = jax.ShapeDtypeStruct((2, N, H), _F32)
    else:
        out_spec = pl.BlockSpec((_ROWS, EMB), lambda i: (i, 0))
        out_shape = jax.ShapeDtypeStruct((N, EMB), _F32)
    return pl.pallas_call(
        functools.partial(_fin_body, relu=relu, split=split),
        grid=(N // _ROWS,),
        in_specs=[
            pl.BlockSpec((2, _ROWS, H), lambda i: (0, i, 0)),
            pl.BlockSpec((2, _ROWS, H), lambda i: (0, i, 0)),
            pl.BlockSpec((EMB, EMB), lambda i: (0, 0)),
        ],
        out_specs=out_spec,
        out_shape=out_shape,
    )


_fin_mid = _make_fin(relu=True, split=True)
_fin_last = _make_fin(relu=False, split=False)


def kernel(x, edge_index, edge_attr, Wx, bx,
           Wr0, Wn0, b0, Wr1, Wn1, b1, Wr2, Wn2, b2):
    del edge_attr
    src = edge_index[0].astype(_I32)
    dst = edge_index[1].astype(_I32)

    pad = E_PAD - E
    src_p = jnp.concatenate([src, jnp.zeros((pad,), _I32)])
    dst_p = jnp.concatenate([dst, jnp.full((pad,), N_PAD - 1, _I32)])
    s3 = src_p.reshape(TILES * N_CHUNKS, CHUNK)
    d3 = dst_p.reshape(TILES * N_CHUNKS, CHUNK)
    idx = jnp.concatenate([jnp.stack([s3, d3], axis=1),
                           jnp.stack([s3 + N, d3], axis=1)]).reshape(-1, CHUNK)
    zeros = jnp.zeros((STRIPE, H), _F32)

    h2 = _proj(x, Wx, bx.reshape(1, EMB))
    for Wr, Wn, b, fin_fn in (
        (Wr0, Wn0, b0, _fin_mid),
        (Wr1, Wn1, b1, _fin_mid),
        (Wr2, Wn2, b2, _fin_last),
    ):
        agg_flat = _sc_agg(h2.reshape(2 * N, H), idx, zeros)
        part = _part(h2, Wr, b.reshape(1, EMB))
        agg2 = agg_flat.reshape(2, N_PAD, H)
        h2 = fin_fn(part, agg2, Wn)
    return h2

# --- scband reference (transcript-rebuilt; emitter-appended) ---
"""Pipeline reference for scband-gnn-1-2-75986561401173 (READ-ONLY COPY).

The authoritative reference and input builder live on the scoring server;
editing this copy changes nothing except your own understanding.
"""

import jax, jax.numpy as jnp
import numpy as np

N_NODES = 10000
N_EDGES = 320000
D_FEAT = 128
EMB = 256
NUM_LAYER = 3
FEAT_VOCAB = 1000
FEAT_DIM = int(FEAT_VOCAB ** 0.7)  # 125


def setup_inputs(seed: int = 0) -> dict:
    key = jax.random.key(seed)
    ks = jax.random.split(key, 16)
    x = jax.random.normal(ks[0], (N_NODES, D_FEAT), dtype=jnp.float32)
    edge_index = jax.random.randint(ks[1], (2, N_EDGES), 0, N_NODES, dtype=jnp.int64 if jax.config.jax_enable_x64 else jnp.int32)
    edge_attr = jax.random.normal(ks[2], (N_EDGES, 4), dtype=jnp.float32)
    s = 1.0 / np.sqrt(D_FEAT)
    Wx = jax.random.uniform(ks[3], (D_FEAT, EMB), minval=-s, maxval=s, dtype=jnp.float32)
    bx = jnp.zeros((EMB,), dtype=jnp.float32)
    se = 1.0 / np.sqrt(EMB)
    params = {}
    for l in range(NUM_LAYER):
        params[f'Wr{l}'] = jax.random.uniform(ks[4 + 3 * l], (EMB, EMB), minval=-se, maxval=se, dtype=jnp.float32)
        params[f'Wn{l}'] = jax.random.uniform(ks[5 + 3 * l], (EMB, EMB), minval=-se, maxval=se, dtype=jnp.float32)
        params[f'b{l}'] = jnp.zeros((EMB,), dtype=jnp.float32)
    out = {'x': x, 'edge_index': edge_index, 'edge_attr': edge_attr, 'Wx': Wx, 'bx': bx}
    out.update(params)
    return out


def _graph_conv(h, src, dst, Wr, Wn, b):
    # GraphConv: h_i' = W_r h_i + sum_{j in N(i)} W_n h_j + b
    msg = jnp.take(h, src, axis=0) @ Wn
    agg = jax.ops.segment_sum(msg, dst, num_segments=N_NODES)
    return h @ Wr + agg + b


def reference(x, edge_index, edge_attr, Wx, bx, Wr0, Wn0, b0, Wr1, Wn1, b1, Wr2, Wn2, b2):
    # GNN.forward (gnn_type='graphconv', bn=False, residual=False, drop=0, JK='last', eval mode)
    src = edge_index[0]
    dst = edge_index[1]
    h = x @ Wx + bx  # linear_x
    layers = [(Wr0, Wn0, b0), (Wr1, Wn1, b1), (Wr2, Wn2, b2)]
    for layer, (Wr, Wn, b) in enumerate(layers):
        h = _graph_conv(h, src, dst, Wr, Wn, b)
        if layer != NUM_LAYER - 1:
            h = jax.nn.relu(h)
        # dropout with ratio 0.0 / eval mode: identity
    # JK == 'last'
    return h

if __name__ == "__main__":
    import jax
    _d = setup_inputs()
    print(jax.jit(kernel)(*tuple(_d.values())))

</pallas_src>

<mosaic_0001>
#map = affine_map<(d0, d1) -> (0, 0)>
module attributes {stable_mosaic.version = 14 : i64} {
  func.func @_sc_agg_body(%arg0: i32, %arg1: i32, %arg2: memref<20000x128xf32, #tpu.memory_space<hbm>>, %arg3: memref<10688x120xi32, #tpu.memory_space<hbm>>, %arg4: memref<632x128xf32, #tpu.memory_space<hbm>>, %arg5: memref<20224x128xf32, #tpu.memory_space<hbm>>, %arg6: memref<8x2x120xi32, #tpu.memory_space<vmem>>, %arg7: memref<3x120x128xf32, #tpu.memory_space<vmem>>, %arg8: memref<10112x128xf32, #tpu.memory_space<vmem_shared>>, %arg9: memref<8x!tpu.dma_semaphore, #tpu.memory_space<semaphore_mem>>, %arg10: memref<3x!tpu.dma_semaphore, #tpu.memory_space<semaphore_mem>>, %arg11: memref<3x!tpu.dma_semaphore, #tpu.memory_space<semaphore_mem>>) attributes {dimension_semantics = [#tpu.dimension_semantics<core_parallel>, #tpu.dimension_semantics<subcore_parallel>], iteration_bounds = array<i64: 2, 16>, scalar_prefetch = 0 : i64, scratch_operands = 6 : i64, tpu.core_type = #tpu.core_type<sc_vector_subcore>, window_params = [{transform_indices = #map}, {transform_indices = #map}, {transform_indices = #map}, {transform_indices = #map}]} {
    %mul3A = arith.constant 632 : i32
    %mul3A_0 = arith.muli %arg1, %mul3A : i32
    %dma_start3A = arith.constant 0 : i32
    %dma_start3A_1 = tpu.memref_slice %arg11[%dma_start3A] : memref<3x!tpu.dma_semaphore, #tpu.memory_space<semaphore_mem>> -> memref<1x!tpu.dma_semaphore, #tpu.memory_space<semaphore_mem>>
    %dma_start3A_2 = tpu.memref_squeeze %dma_start3A_1 : memref<1x!tpu.dma_semaphore, #tpu.memory_space<semaphore_mem>> -> memref<!tpu.dma_semaphore, #tpu.memory_space<semaphore_mem>>
    %dma_start3A_3 = arith.constant 0 : i32
    %dma_start3A_4 = tpu.memref_slice %arg8[%mul3A_0, %dma_start3A_3] : memref<10112x128xf32, #tpu.memory_space<vmem_shared>> -> memref<632x128xf32, #tpu.memory_space<vmem_shared>>
    tpu.enqueue_dma source(%arg4 : memref<632x128xf32, #tpu.memory_space<hbm>>) target(%dma_start3A_4 : memref<632x128xf32, #tpu.memory_space<vmem_shared>>) target_semaphore(%dma_start3A_2 : memref<!tpu.dma_semaphore, #tpu.memory_space<semaphore_mem>>)
    %mul3A_5 = arith.constant 5344 : i32
    %mul3A_6 = arith.muli %arg0, %mul3A_5 : i32
    %mul3A_7 = arith.constant 167 : i32
    %mul3A_8 = arith.muli %arg1, %mul3A_7 : i32
    %add3A = arith.constant 0 : i32
    %add3A_9 = arith.addi %mul3A_8, %add3A : i32
    %mul3A_10 = arith.constant 2 : i32
    %mul3A_11 = arith.muli %add3A_9, %mul3A_10 : i32
    %add3A_12 = arith.addi %mul3A_6, %mul3A_11 : i32
    %dma_start3A_13 = arith.constant 0 : i32
    %dma_start3A_14 = arith.constant 0 : i32
    %dma_start3A_15 = arith.constant 0 : i32
    %dma_start3A_16 = arith.constant 0 : i32
    %dma_start3A_17 = tpu.memref_slice %arg6[%dma_start3A_13, %dma_start3A_15, %dma_start3A_16] : memref<8x2x120xi32, #tpu.memory_space<vmem>> -> memref<1x2x120xi32, #tpu.memory_space<vmem>>
    %dma_start3A_18 = tpu.memref_squeeze %dma_start3A_17 : memref<1x2x120xi32, #tpu.memory_space<vmem>> -> memref<2x120xi32, #tpu.memory_space<vmem>>
    %dma_start3A_19 = arith.constant 0 : i32
    %dma_start3A_20 = tpu.memref_slice %arg3[%add3A_12, %dma_start3A_19] : memref<10688x120xi32, #tpu.memory_space<hbm>> -> memref<2x120xi32, #tpu.memory_space<hbm>>
    %dma_start3A_21 = tpu.memref_slice %arg9[%dma_start3A_14] : memref<8x!tpu.dma_semaphore, #tpu.memory_space<semaphore_mem>> -> memref<1x!tpu.dma_semaphore, #tpu.memory_space<semaphore_mem>>
    %dma_start3A_22 = tpu.memref_squeeze %dma_start3A_21 : memref<1x!tpu.dma_semaphore, #tpu.memory_space<semaphore_mem>> -> memref<!tpu.dma_semaphore, #tpu.memory_space<semaphore_mem>>
    %dma_start3A_23 = arith.constant 0 : i32
    %dma_start3A_24 = arith.constant 0 : i32
    %dma_start3A_25 = tpu.memref_slice %arg6[%dma_start3A_13, %dma_start3A_23, %dma_start3A_24] : memref<8x2x120xi32, #tpu.memory_space<vmem>> -> memref<1x2x120xi32, #tpu.memory_space<vmem>>
    %dma_start3A_26 = tpu.memref_squeeze %dma_start3A_25 : memref<1x2x120xi32, #tpu.memory_space<vmem>> -> memref<2x120xi32, #tpu.memory_space<vmem>>
    %dma_start3A_27 = arith.constant 0 : i32
    %dma_start3A_28 = tpu.memref_slice %arg3[%add3A_12, %dma_start3A_27] : memref<10688x120xi32, #tpu.memory_space<hbm>> -> memref<2x120xi32, #tpu.memory_space<hbm>>
    tpu.enqueue_dma source(%dma_start3A_28 : memref<2x120xi32, #tpu.memory_space<hbm>>) target(%dma_start3A_26 : memref<2x120xi32, #tpu.memory_space<vmem>>) target_semaphore(%dma_start3A_22 : memref<!tpu.dma_semaphore, #tpu.memory_space<semaphore_mem>>)
    %mul3A_29 = arith.constant 5344 : i32
    %mul3A_30 = arith.muli %arg0, %mul3A_29 : i32
    %mul3A_31 = arith.constant 167 : i32
    %mul3A_32 = arith.muli %arg1, %mul3A_31 : i32
    %add3A_33 = arith.constant 1 : i32
    %add3A_34 = arith.addi %mul3A_32, %add3A_33 : i32
    %mul3A_35 = arith.constant 2 : i32
    %mul3A_36 = arith.muli %add3A_34, %mul3A_35 : i32
    %add3A_37 = arith.addi %mul3A_30, %mul3A_36 : i32
    %dma_start3A_38 = arith.constant 1 : i32
    %dma_start3A_39 = arith.constant 1 : i32
    %dma_start3A_40 = arith.constant 0 : i32
    %dma_start3A_41 = arith.constant 0 : i32
    %dma_start3A_42 = tpu.memref_slice %arg6[%dma_start3A_38, %dma_start3A_40, %dma_start3A_41] : memref<8x2x120xi32, #tpu.memory_space<vmem>> -> memref<1x2x120xi32, #tpu.memory_space<vmem>>
    %dma_start3A_43 = tpu.memref_squeeze %dma_start3A_42 : memref<1x2x120xi32, #tpu.memory_space<vmem>> -> memref<2x120xi32, #tpu.memory_space<vmem>>
    %dma_start3A_44 = arith.constant 0 : i32
    %dma_start3A_45 = tpu.memref_slice %arg3[%add3A_37, %dma_start3A_44] : memref<10688x120xi32, #tpu.memory_space<hbm>> -> memref<2x120xi32, #tpu.memory_space<hbm>>
    %dma_start3A_46 = tpu.memref_slice %arg9[%dma_start3A_39] : memref<8x!tpu.dma_semaphore, #tpu.memory_space<semaphore_mem>> -> memref<1x!tpu.dma_semaphore, #tpu.memory_space<semaphore_mem>>
    %dma_start3A_47 = tpu.memref_squeeze %dma_start3A_46 : memref<1x!tpu.dma_semaphore, #tpu.memory_space<semaphore_mem>> -> memref<!tpu.dma_semaphore, #tpu.memory_space<semaphore_mem>>
    %dma_start3A_48 = arith.constant 0 : i32
    %dma_start3A_49 = arith.constant 0 : i32
    %dma_start3A_50 = tpu.memref_slice %arg6[%dma_start3A_38, %dma_start3A_48, %dma_start3A_49] : memref<8x2x120xi32, #tpu.memory_space<vmem>> -> memref<1x2x120xi32, #tpu.memory_space<vmem>>
    %dma_start3A_51 = tpu.memref_squeeze %dma_start3A_50 : memref<1x2x120xi32, #tpu.memory_space<vmem>> -> memref<2x120xi32, #tpu.memory_space<vmem>>
    %dma_start3A_52 = arith.constant 0 : i32
    %dma_start3A_53 = tpu.memref_slice %arg3[%add3A_37, %dma_start3A_52] : memref<10688x120xi32, #tpu.memory_space<hbm>> -> memref<2x120xi32, #tpu.memory_space<hbm>>
    tpu.enqueue_dma source(%dma_start3A_53 : memref<2x120xi32, #tpu.memory_space<hbm>>) target(%dma_start3A_51 : memref<2x120xi32, #tpu.memory_space<vmem>>) target_semaphore(%dma_start3A_47 : memref<!tpu.dma_semaphore, #tpu.memory_space<semaphore_mem>>)
    %mul3A_54 = arith.constant 5344 : i32
    %mul3A_55 = arith.muli %arg0, %mul3A_54 : i32
    %mul3A_56 = arith.constant 167 : i32
    %mul3A_57 = arith.muli %arg1, %mul3A_56 : i32
    %add3A_58 = arith.constant 2 : i32
    %add3A_59 = arith.addi %mul3A_57, %add3A_58 : i32
    %mul3A_60 = arith.constant 2 : i32
    %mul3A_61 = arith.muli %add3A_59, %mul3A_60 : i32
    %add3A_62 = arith.addi %mul3A_55, %mul3A_61 : i32
    %dma_start3A_63 = arith.constant 2 : i32
    %dma_start3A_64 = arith.constant 2 : i32
    %dma_start3A_65 = arith.constant 0 : i32
    %dma_start3A_66 = arith.constant 0 : i32
    %dma_start3A_67 = tpu.memref_slice %arg6[%dma_start3A_63, %dma_start3A_65, %dma_start3A_66] : memref<8x2x120xi32, #tpu.memory_space<vmem>> -> memref<1x2x120xi32, #tpu.memory_space<vmem>>
    %dma_start3A_68 = tpu.memref_squeeze %dma_start3A_67 : memref<1x2x120xi32, #tpu.memory_space<vmem>> -> memref<2x120xi32, #tpu.memory_space<vmem>>
    %dma_start3A_69 = arith.constant 0 : i32
    %dma_start3A_70 = tpu.memref_slice %arg3[%add3A_62, %dma_start3A_69] : memref<10688x120xi32, #tpu.memory_space<hbm>> -> memref<2x120xi32, #tpu.memory_space<hbm>>
    %dma_start3A_71 = tpu.memref_slice %arg9[%dma_start3A_64] : memref<8x!tpu.dma_semaphore, #tpu.memory_space<semaphore_mem>> -> memref<1x!tpu.dma_semaphore, #tpu.memory_space<semaphore_mem>>
    %dma_start3A_72 = tpu.memref_squeeze %dma_start3A_71 : memref<1x!tpu.dma_semaphore, #tpu.memory_space<semaphore_mem>> -> memref<!tpu.dma_semaphore, #tpu.memory_space<semaphore_mem>>
    %dma_start3A_73 = arith.constant 0 : i32
    %dma_start3A_74 = arith.constant 0 : i32
    %dma_start3A_75 = tpu.memref_slice %arg6[%dma_start3A_63, %dma_start3A_73, %dma_start3A_74] : memref<8x2x120xi32, #tpu.memory_space<vmem>> -> memref<1x2x120xi32, #tpu.memory_space<vmem>>
    %dma_start3A_76 = tpu.memref_squeeze %dma_start3A_75 : memref<1x2x120xi32, #tpu.memory_space<vmem>> -> memref<2x120xi32, #tpu.memory_space<vmem>>
    %dma_start3A_77 = arith.constant 0 : i32
    %dma_start3A_78 = tpu.memref_slice %arg3[%add3A_62, %dma_start3A_77] : memref<10688x120xi32, #tpu.memory_space<hbm>> -> memref<2x120xi32, #tpu.memory_space<hbm>>
    tpu.enqueue_dma source(%dma_start3A_78 : memref<2x120xi32, #tpu.memory_space<hbm>>) target(%dma_start3A_76 : memref<2x120xi32, #tpu.memory_space<vmem>>) target_semaphore(%dma_start3A_72 : memref<!tpu.dma_semaphore, #tpu.memory_space<semaphore_mem>>)
    %dma_wait3A = arith.constant 0 : i32
    %dma_wait3A_79 = arith.constant 0 : i32
    %dma_wait3A_80 = arith.constant 0 : i32
    %dma_wait3A_81 = arith.constant 0 : i32
    %dma_wait3A_82 = tpu.memref_slice %arg6[%dma_wait3A, %dma_wait3A_80, %dma_wait3A_81] : memref<8x2x120xi32, #tpu.memory_space<vmem>> -> memref<1x2x120xi32, #tpu.memory_space<vmem>>
    %dma_wait3A_83 = tpu.memref_squeeze %dma_wait3A_82 : memref<1x2x120xi32, #tpu.memory_space<vmem>> -> memref<2x120xi32, #tpu.memory_space<vmem>>
    %dma_wait3A_84 = arith.constant 0 : i32
    %dma_wait3A_85 = arith.constant 0 : i32
    %dma_wait3A_86 = tpu.memref_slice %arg3[%dma_wait3A_84, %dma_wait3A_85] : memref<10688x120xi32, #tpu.memory_space<hbm>> -> memref<2x120xi32, #tpu.memory_space<hbm>>
    %dma_wait3A_87 = tpu.memref_slice %arg9[%dma_wait3A_79] : memref<8x!tpu.dma_semaphore, #tpu.memory_space<semaphore_mem>> -> memref<1x!tpu.dma_semaphore, #tpu.memory_space<semaphore_mem>>
    %dma_wait3A_88 = tpu.memref_squeeze %dma_wait3A_87 : memref<1x!tpu.dma_semaphore, #tpu.memory_space<semaphore_mem>> -> memref<!tpu.dma_semaphore, #tpu.memory_space<semaphore_mem>>
    %dma_wait3A_89 = arith.constant 0 : i32
    %dma_wait3A_90 = arith.constant 0 : i32
    %dma_wait3A_91 = tpu.memref_slice %arg6[%dma_wait3A, %dma_wait3A_89, %dma_wait3A_90] : memref<8x2x120xi32, #tpu.memory_space<vmem>> -> memref<1x2x120xi32, #tpu.memory_space<vmem>>
    %dma_wait3A_92 = tpu.memref_squeeze %dma_wait3A_91 : memref<1x2x120xi32, #tpu.memory_space<vmem>> -> memref<2x120xi32, #tpu.memory_space<vmem>>
    %dma_wait3A_93 = arith.constant 0 : i32
    %dma_wait3A_94 = arith.constant 0 : i32
    %dma_wait3A_95 = tpu.memref_slice %arg3[%dma_wait3A_93, %dma_wait3A_94] : memref<10688x120xi32, #tpu.memory_space<hbm>> -> memref<2x120xi32, #tpu.memory_space<hbm>>
    tpu.wait_dma2 semaphore(%dma_wait3A_88 : memref<!tpu.dma_semaphore, #tpu.memory_space<semaphore_mem>>) src(%dma_wait3A_95 : memref<2x120xi32, #tpu.memory_space<hbm>>) dst(%dma_wait3A_92 : memref<2x120xi32, #tpu.memory_space<vmem>>)
    %dma_start3A_96 = arith.constant 0 : i32
    %dma_start3A_97 = arith.constant 0 : i32
    %dma_start3A_98 = arith.constant 0 : i32
    %dma_start3A_99 = arith.constant 0 : i32
    %dma_start3A_100 = arith.constant 0 : i32
    %dma_start3A_101 = arith.constant 0 : i32
    %dma_start3A_102 = tpu.memref_slice %arg7[%dma_start3A_98, %dma_start3A_100, %dma_start3A_101] : memref<3x120x128xf32, #tpu.memory_space<vmem>> -> memref<1x120x128xf32, #tpu.memory_space<vmem>>
    %dma_start3A_103 = tpu.memref_squeeze %dma_start3A_102 : memref<1x120x128xf32, #tpu.memory_space<vmem>> -> memref<120x128xf32, #tpu.memory_space<vmem>>
    %dma_start3A_104 = arith.constant 0 : i32
    %dma_start3A_105 = tpu.memref_slice %arg6[%dma_start3A_96, %dma_start3A_97, %dma_start3A_104] : memref<8x2x120xi32, #tpu.memory_space<vmem>> -> memref<1x1x120xi32, #tpu.memory_space<vmem>>
    %dma_start3A_106 = tpu.memref_squeeze %dma_start3A_105 : memref<1x1x120xi32, #tpu.memory_space<vmem>> -> memref<120xi32, #tpu.memory_space<vmem>>
    %dma_start3A_107 = arith.constant 0 : i32
    %dma_start3A_108 = arith.constant 0 : i32
    %dma_start3A_109 = tpu.memref_slice %arg2[%dma_start3A_107, %dma_start3A_108] : memref<20000x128xf32, #tpu.memory_space<hbm>> -> memref<20000x128xf32, #tpu.memory_space<hbm>>
    %dma_start3A_110 = tpu.memref_slice %arg10[%dma_start3A_99] : memref<3x!tpu.dma_semaphore, #tpu.memory_space<semaphore_mem>> -> memref<1x!tpu.dma_semaphore, #tpu.memory_space<semaphore_mem>>
    %dma_start3A_111 = tpu.memref_squeeze %dma_start3A_110 : memref<1x!tpu.dma_semaphore, #tpu.memory_space<semaphore_mem>> -> memref<!tpu.dma_semaphore, #tpu.memory_space<semaphore_mem>>
    tpu.enqueue_indirect_dma source(%dma_start3A_109 : memref<20000x128xf32, #tpu.memory_space<hbm>>) target(%dma_start3A_103 : memref<120x128xf32, #tpu.memory_space<vmem>>) offsets(%dma_start3A_106 : memref<120xi32, #tpu.memory_space<vmem>>) semaphore(%dma_start3A_111 : memref<!tpu.dma_semaphore, #tpu.memory_space<semaphore_mem>>)
    %dma_wait3A_112 = arith.constant 1 : i32
    %dma_wait3A_113 = arith.constant 1 : i32
    %dma_wait3A_114 = arith.constant 0 : i32
    %dma_wait3A_115 = arith.constant 0 : i32
    %dma_wait3A_116 = tpu.memref_slice %arg6[%dma_wait3A_112, %dma_wait3A_114, %dma_wait3A_115] : memref<8x2x120xi32, #tpu.memory_space<vmem>> -> memref<1x2x120xi32, #tpu.memory_space<vmem>>
    %dma_wait3A_117 = tpu.memref_squeeze %dma_wait3A_116 : memref<1x2x120xi32, #tpu.memory_space<vmem>> -> memref<2x120xi32, #tpu.memory_space<vmem>>
    %dma_wait3A_118 = arith.constant 0 : i32
    %dma_wait3A_119 = arith.constant 0 : i32
    %dma_wait3A_120 = tpu.memref_slice %arg3[%dma_wait3A_118, %dma_wait3A_119] : memref<10688x120xi32, #tpu.memory_space<hbm>> -> memref<2x120xi32, #tpu.memory_space<hbm>>
    %dma_wait3A_121 = tpu.memref_slice %arg9[%dma_wait3A_113] : memref<8x!tpu.dma_semaphore, #tpu.memory_space<semaphore_mem>> -> memref<1x!tpu.dma_semaphore, #tpu.memory_space<semaphore_mem>>
    %dma_wait3A_122 = tpu.memref_squeeze %dma_wait3A_121 : memref<1x!tpu.dma_semaphore, #tpu.memory_space<semaphore_mem>> -> memref<!tpu.dma_semaphore, #tpu.memory_space<semaphore_mem>>
    %dma_wait3A_123 = arith.constant 0 : i32
    %dma_wait3A_124 = arith.constant 0 : i32
    %dma_wait3A_125 = tpu.memref_slice %arg6[%dma_wait3A_112, %dma_wait3A_123, %dma_wait3A_124] : memref<8x2x120xi32, #tpu.memory_space<vmem>> -> memref<1x2x120xi32, #tpu.memory_space<vmem>>
    %dma_wait3A_126 = tpu.memref_squeeze %dma_wait3A_125 : memref<1x2x120xi32, #tpu.memory_space<vmem>> -> memref<2x120xi32, #tpu.memory_space<vmem>>
    %dma_wait3A_127 = arith.constant 0 : i32
    %dma_wait3A_128 = arith.constant 0 : i32
    %dma_wait3A_129 = tpu.memref_slice %arg3[%dma_wait3A_127, %dma_wait3A_128] : memref<10688x120xi32, #tpu.memory_space<hbm>> -> memref<2x120xi32, #tpu.memory_space<hbm>>
    tpu.wait_dma2 semaphore(%dma_wait3A_122 : memref<!tpu.dma_semaphore, #tpu.memory_space<semaphore_mem>>) src(%dma_wait3A_129 : memref<2x120xi32, #tpu.memory_space<hbm>>) dst(%dma_wait3A_126 : memref<2x120xi32, #tpu.memory_space<vmem>>)
    %dma_start3A_130 = arith.constant 1 : i32
    %dma_start3A_131 = arith.constant 0 : i32
    %dma_start3A_132 = arith.constant 1 : i32
    %dma_start3A_133 = arith.constant 1 : i32
    %dma_start3A_134 = arith.constant 0 : i32
    %dma_start3A_135 = arith.constant 0 : i32
    %dma_start3A_136 = tpu.memref_slice %arg7[%dma_start3A_132, %dma_start3A_134, %dma_start3A_135] : memref<3x120x128xf32, #tpu.memory_space<vmem>> -> memref<1x120x128xf32, #tpu.memory_space<vmem>>
    %dma_start3A_137 = tpu.memref_squeeze %dma_start3A_136 : memref<1x120x128xf32, #tpu.memory_space<vmem>> -> memref<120x128xf32, #tpu.memory_space<vmem>>
    %dma_start3A_138 = arith.constant 0 : i32
    %dma_start3A_139 = tpu.memref_slice %arg6[%dma_start3A_130, %dma_start3A_131, %dma_start3A_138] : memref<8x2x120xi32, #tpu.memory_space<vmem>> -> memref<1x1x120xi32, #tpu.memory_space<vmem>>
    %dma_start3A_140 = tpu.memref_squeeze %dma_start3A_139 : memref<1x1x120xi32, #tpu.memory_space<vmem>> -> memref<120xi32, #tpu.memory_space<vmem>>
    %dma_start3A_141 = arith.constant 0 : i32
    %dma_start3A_142 = arith.constant 0 : i32
    %dma_start3A_143 = tpu.memref_slice %arg2[%dma_start3A_141, %dma_start3A_142] : memref<20000x128xf32, #tpu.memory_space<hbm>> -> memref<20000x128xf32, #tpu.memory_space<hbm>>
    %dma_start3A_144 = tpu.memref_slice %arg10[%dma_start3A_133] : memref<3x!tpu.dma_semaphore, #tpu.memory_space<semaphore_mem>> -> memref<1x!tpu.dma_semaphore, #tpu.memory_space<semaphore_mem>>
    %dma_start3A_145 = tpu.memref_squeeze %dma_start3A_144 : memref<1x!tpu.dma_semaphore, #tpu.memory_space<semaphore_mem>> -> memref<!tpu.dma_semaphore, #tpu.memory_space<semaphore_mem>>
    tpu.enqueue_indirect_dma source(%dma_start3A_143 : memref<20000x128xf32, #tpu.memory_space<hbm>>) target(%dma_start3A_137 : memref<120x128xf32, #tpu.memory_space<vmem>>) offsets(%dma_start3A_140 : memref<120xi32, #tpu.memory_space<vmem>>) semaphore(%dma_start3A_145 : memref<!tpu.dma_semaphore, #tpu.memory_space<semaphore_mem>>)
    %dma_wait3A_146 = arith.constant 0 : i32
    %dma_wait3A_147 = tpu.memref_slice %arg11[%dma_wait3A_146] : memref<3x!tpu.dma_semaphore, #tpu.memory_space<semaphore_mem>> -> memref<1x!tpu.dma_semaphore, #tpu.memory_space<semaphore_mem>>
    %dma_wait3A_148 = tpu.memref_squeeze %dma_wait3A_147 : memref<1x!tpu.dma_semaphore, #tpu.memory_space<semaphore_mem>> -> memref<!tpu.dma_semaphore, #tpu.memory_space<semaphore_mem>>
    %dma_wait3A_149 = arith.constant 0 : i32
    %dma_wait3A_150 = tpu.memref_slice %arg8[%mul3A_0, %dma_wait3A_149] : memref<10112x128xf32, #tpu.memory_space<vmem_shared>> -> memref<632x128xf32, #tpu.memory_space<vmem_shared>>
    tpu.wait_dma2 semaphore(%dma_wait3A_148 : memref<!tpu.dma_semaphore, #tpu.memory_space<semaphore_mem>>) src(%arg4 : memref<632x128xf32, #tpu.memory_space<hbm>>) dst(%dma_wait3A_150 : memref<632x128xf32, #tpu.memory_space<vmem_shared>>)
    %barrier3A = arith.constant 0 : index
    tpu.barrier barrier_id(%barrier3A)
    %scan3A = arith.constant 0 : i32
    %scan3A_151 = arith.constant 0 : i32
    %scan3A_152 = arith.constant 167 : i32
    %scan3A_153 = arith.addi %scan3A_151, %scan3A_152 : i32
    %scan3A_154 = arith.constant 1 : i32
    scf.for %scan3A_180 = %scan3A_151 to %scan3A_153 step %scan3A_154  : i32 {
      %rem3A = arith.constant 3 : i32
      %rem3A_181 = arith.remsi %scan3A_180, %rem3A : i32
      %sub3A = arith.constant 1 : i32
      %sub3A_182 = arith.subi %scan3A_180, %sub3A : i32
      %rem3A_183 = arith.constant 3 : i32
      %rem3A_184 = arith.remsi %sub3A_182, %rem3A_183 : i32
      %add3A_185 = arith.constant 2 : i32
      %add3A_186 = arith.addi %scan3A_180, %add3A_185 : i32
      %rem3A_187 = arith.constant 3 : i32
      %rem3A_188 = arith.remsi %add3A_186, %rem3A_187 : i32
      %rem3A_189 = arith.constant 8 : i32
      %rem3A_190 = arith.remsi %scan3A_180, %rem3A_189 : i32
      %add3A_191 = arith.constant 2 : i32
      %add3A_192 = arith.addi %scan3A_180, %add3A_191 : i32
      %rem3A_193 = arith.constant 8 : i32
      %rem3A_194 = arith.remsi %add3A_192, %rem3A_193 : i32
      %add3A_195 = arith.constant 3 : i32
      %add3A_196 = arith.addi %scan3A_180, %add3A_195 : i32
      %rem3A_197 = arith.constant 8 : i32
      %rem3A_198 = arith.remsi %add3A_196, %rem3A_197 : i32
      %dma_wait3A_199 = arith.constant 0 : i32
      %dma_wait3A_200 = arith.constant 0 : i32
      %dma_wait3A_201 = arith.constant 0 : i32
      %dma_wait3A_202 = arith.constant 0 : i32
      %dma_wait3A_203 = tpu.memref_slice %arg7[%rem3A_181, %dma_wait3A_201, %dma_wait3A_202] : memref<3x120x128xf32, #tpu.memory_space<vmem>> -> memref<1x120x128xf32, #tpu.memory_space<vmem>>
      %dma_wait3A_204 = tpu.memref_squeeze %dma_wait3A_203 : memref<1x120x128xf32, #tpu.memory_space<vmem>> -> memref<120x128xf32, #tpu.memory_space<vmem>>
      %dma_wait3A_205 = arith.constant 0 : i32
      %dma_wait3A_206 = tpu.memref_slice %arg6[%dma_wait3A_199, %dma_wait3A_200, %dma_wait3A_205] : memref<8x2x120xi32, #tpu.memory_space<vmem>> -> memref<1x1x120xi32, #tpu.memory_space<vmem>>
      %dma_wait3A_207 = tpu.memref_squeeze %dma_wait3A_206 : memref<1x1x120xi32, #tpu.memory_space<vmem>> -> memref<120xi32, #tpu.memory_space<vmem>>
      %dma_wait3A_208 = arith.constant 0 : i32
      %dma_wait3A_209 = arith.constant 0 : i32
      %dma_wait3A_210 = tpu.memref_slice %arg2[%dma_wait3A_208, %dma_wait3A_209] : memref<20000x128xf32, #tpu.memory_space<hbm>> -> memref<20000x128xf32, #tpu.memory_space<hbm>>
      %dma_wait3A_211 = tpu.memref_slice %arg10[%rem3A_181] : memref<3x!tpu.dma_semaphore, #tpu.memory_space<semaphore_mem>> -> memref<1x!tpu.dma_semaphore, #tpu.memory_space<semaphore_mem>>
      %dma_wait3A_212 = tpu.memref_squeeze %dma_wait3A_211 : memref<1x!tpu.dma_semaphore, #tpu.memory_space<semaphore_mem>> -> memref<!tpu.dma_semaphore, #tpu.memory_space<semaphore_mem>>
      tpu.wait_indirect_dma semaphore(%dma_wait3A_212 : memref<!tpu.dma_semaphore, #tpu.memory_space<semaphore_mem>>) src(%dma_wait3A_210 : memref<20000x128xf32, #tpu.memory_space<hbm>>) dst(%dma_wait3A_204 : memref<120x128xf32, #tpu.memory_space<vmem>>)
      %dma_start3A_213 = arith.constant 1 : i32
      %dma_start3A_214 = arith.constant 0 : i32
      %dma_start3A_215 = arith.constant 0 : i32
      %dma_start3A_216 = tpu.memref_slice %arg7[%rem3A_181, %dma_start3A_214, %dma_start3A_215] : memref<3x120x128xf32, #tpu.memory_space<vmem>> -> memref<1x120x128xf32, #tpu.memory_space<vmem>>
      %dma_start3A_217 = tpu.memref_squeeze %dma_start3A_216 : memref<1x120x128xf32, #tpu.memory_space<vmem>> -> memref<120x128xf32, #tpu.memory_space<vmem>>
      %dma_start3A_218 = arith.constant 0 : i32
      %dma_start3A_219 = tpu.memref_slice %arg6[%rem3A_190, %dma_start3A_213, %dma_start3A_218] : memref<8x2x120xi32, #tpu.memory_space<vmem>> -> memref<1x1x120xi32, #tpu.memory_space<vmem>>
      %dma_start3A_220 = tpu.memref_squeeze %dma_start3A_219 : memref<1x1x120xi32, #tpu.memory_space<vmem>> -> memref<120xi32, #tpu.memory_space<vmem>>
      %dma_start3A_221 = arith.constant 0 : i32
      %dma_start3A_222 = arith.constant 0 : i32
      %dma_start3A_223 = tpu.memref_slice %arg8[%dma_start3A_221, %dma_start3A_222] : memref<10112x128xf32, #tpu.memory_space<vmem_shared>> -> memref<10112x128xf32, #tpu.memory_space<vmem_shared>>
      %dma_start3A_224 = tpu.memref_slice %arg11[%rem3A_181] : memref<3x!tpu.dma_semaphore, #tpu.memory_space<semaphore_mem>> -> memref<1x!tpu.dma_semaphore, #tpu.memory_space<semaphore_mem>>
      %dma_start3A_225 = tpu.memref_squeeze %dma_start3A_224 : memref<1x!tpu.dma_semaphore, #tpu.memory_space<semaphore_mem>> -> memref<!tpu.dma_semaphore, #tpu.memory_space<semaphore_mem>>
      tpu.enqueue_indirect_dma source(%dma_start3A_217 : memref<120x128xf32, #tpu.memory_space<vmem>>) target(%dma_start3A_223 : memref<10112x128xf32, #tpu.memory_space<vmem_shared>>) offsets(%dma_start3A_220 : memref<120xi32, #tpu.memory_space<vmem>>) semaphore(%dma_start3A_225 : memref<!tpu.dma_semaphore, #tpu.memory_space<semaphore_mem>>) {add = true}
      %ge3A = arith.constant 1 : i32
      %ge3A_226 = arith.cmpi sge, %scan3A_180, %ge3A : i32
      %convert_element_type3A = arith.extui %ge3A_226 : i1 to i32
      %cond3A = arith.constant 0 : i32
      %cond3A_227 = arith.cmpi ne, %convert_element_type3A, %cond3A : i32
      scf.if %cond3A_227 {
        %dma_wait3A_241 = arith.constant 0 : i32
        %dma_wait3A_242 = arith.constant 1 : i32
        %dma_wait3A_243 = arith.constant 0 : i32
        %dma_wait3A_244 = arith.constant 0 : i32
        %dma_wait3A_245 = tpu.memref_slice %arg7[%rem3A_184, %dma_wait3A_243, %dma_wait3A_244] : memref<3x120x128xf32, #tpu.memory_space<vmem>> -> memref<1x120x128xf32, #tpu.memory_space<vmem>>
        %dma_wait3A_246 = tpu.memref_squeeze %dma_wait3A_245 : memref<1x120x128xf32, #tpu.memory_space<vmem>> -> memref<120x128xf32, #tpu.memory_space<vmem>>
        %dma_wait3A_247 = arith.constant 0 : i32
        %dma_wait3A_248 = tpu.memref_slice %arg6[%dma_wait3A_241, %dma_wait3A_242, %dma_wait3A_247] : memref<8x2x120xi32, #tpu.memory_space<vmem>> -> memref<1x1x120xi32, #tpu.memory_space<vmem>>
        %dma_wait3A_249 = tpu.memref_squeeze %dma_wait3A_248 : memref<1x1x120xi32, #tpu.memory_space<vmem>> -> memref<120xi32, #tpu.memory_space<vmem>>
        %dma_wait3A_250 = arith.constant 0 : i32
        %dma_wait3A_251 = arith.constant 0 : i32
        %dma_wait3A_252 = tpu.memref_slice %arg8[%dma_wait3A_250, %dma_wait3A_251] : memref<10112x128xf32, #tpu.memory_space<vmem_shared>> -> memref<10112x128xf32, #tpu.memory_space<vmem_shared>>
        %dma_wait3A_253 = tpu.memref_slice %arg11[%rem3A_184] : memref<3x!tpu.dma_semaphore, #tpu.memory_space<semaphore_mem>> -> memref<1x!tpu.dma_semaphore, #tpu.memory_space<semaphore_mem>>
        %dma_wait3A_254 = tpu.memref_squeeze %dma_wait3A_253 : memref<1x!tpu.dma_semaphore, #tpu.memory_space<semaphore_mem>> -> memref<!tpu.dma_semaphore, #tpu.memory_space<semaphore_mem>>
        tpu.wait_indirect_dma semaphore(%dma_wait3A_254 : memref<!tpu.dma_semaphore, #tpu.memory_space<semaphore_mem>>) src(%dma_wait3A_246 : memref<120x128xf32, #tpu.memory_space<vmem>>) dst(%dma_wait3A_252 : memref<10112x128xf32, #tpu.memory_space<vmem_shared>>)
      } else {
      }
      %add3A_228 = arith.constant 3 : i32
      %add3A_229 = arith.addi %scan3A_180, %add3A_228 : i32
      %lt3A = arith.constant 167 : i32
      %lt3A_230 = arith.cmpi slt, %add3A_229, %lt3A : i32
      %convert_element_type3A_231 = arith.extui %lt3A_230 : i1 to i32
      %cond3A_232 = arith.constant 0 : i32
      %cond3A_233 = arith.cmpi ne, %convert_element_type3A_231, %cond3A_232 : i32
      scf.if %cond3A_233 {
        %add3A_241 = arith.constant 3 : i32
        %add3A_242 = arith.addi %scan3A_180, %add3A_241 : i32
        %mul3A_243 = arith.constant 5344 : i32
        %mul3A_244 = arith.muli %arg0, %mul3A_243 : i32
        %mul3A_245 = arith.constant 167 : i32
        %mul3A_246 = arith.muli %arg1, %mul3A_245 : i32
        %add3A_247 = arith.addi %mul3A_246, %add3A_242 : i32
        %mul3A_248 = arith.constant 2 : i32
        %mul3A_249 = arith.muli %add3A_247, %mul3A_248 : i32
        %add3A_250 = arith.addi %mul3A_244, %mul3A_249 : i32
        %dma_start3A_251 = arith.constant 0 : i32
        %dma_start3A_252 = arith.constant 0 : i32
        %dma_start3A_253 = tpu.memref_slice %arg6[%rem3A_198, %dma_start3A_251, %dma_start3A_252] : memref<8x2x120xi32, #tpu.memory_space<vmem>> -> memref<1x2x120xi32, #tpu.memory_space<vmem>>
        %dma_start3A_254 = tpu.memref_squeeze %dma_start3A_253 : memref<1x2x120xi32, #tpu.memory_space<vmem>> -> memref<2x120xi32, #tpu.memory_space<vmem>>
        %dma_start3A_255 = arith.constant 0 : i32
        %dma_start3A_256 = tpu.memref_slice %arg3[%add3A_250, %dma_start3A_255] : memref<10688x120xi32, #tpu.memory_space<hbm>> -> memref<2x120xi32, #tpu.memory_space<hbm>>
        %dma_start3A_257 = tpu.memref_slice %arg9[%rem3A_198] : memref<8x!tpu.dma_semaphore, #tpu.memory_space<semaphore_mem>> -> memref<1x!tpu.dma_semaphore, #tpu.memory_space<semaphore_mem>>
        %dma_start3A_258 = tpu.memref_squeeze %dma_start3A_257 : memref<1x!tpu.dma_semaphore, #tpu.memory_space<semaphore_mem>> -> memref<!tpu.dma_semaphore, #tpu.memory_space<semaphore_mem>>
        %dma_start3A_259 = arith.constant 0 : i32
        %dma_start3A_260 = arith.constant 0 : i32
        %dma_start3A_261 = tpu.memref_slice %arg6[%rem3A_198, %dma_start3A_259, %dma_start3A_260] : memref<8x2x120xi32, #tpu.memory_space<vmem>> -> memref<1x2x120xi32, #tpu.memory_space<vmem>>
        %dma_start3A_262 = tpu.memref_squeeze %dma_start3A_261 : memref<1x2x120xi32, #tpu.memory_space<vmem>> -> memref<2x120xi32, #tpu.memory_space<vmem>>
        %dma_start3A_263 = arith.constant 0 : i32
        %dma_start3A_264 = tpu.memref_slice %arg3[%add3A_250, %dma_start3A_263] : memref<10688x120xi32, #tpu.memory_space<hbm>> -> memref<2x120xi32, #tpu.memory_space<hbm>>
        tpu.enqueue_dma source(%dma_start3A_264 : memref<2x120xi32, #tpu.memory_space<hbm>>) target(%dma_start3A_262 : memref<2x120xi32, #tpu.memory_space<vmem>>) target_semaphore(%dma_start3A_258 : memref<!tpu.dma_semaphore, #tpu.memory_space<semaphore_mem>>)
      } else {
      }
      %add3A_234 = arith.constant 2 : i32
      %add3A_235 = arith.addi %scan3A_180, %add3A_234 : i32
      %lt3A_236 = arith.constant 167 : i32
      %lt3A_237 = arith.cmpi slt, %add3A_235, %lt3A_236 : i32
      %convert_element_type3A_238 = arith.extui %lt3A_237 : i1 to i32
      %cond3A_239 = arith.constant 0 : i32
      %cond3A_240 = arith.cmpi ne, %convert_element_type3A_238, %cond3A_239 : i32
      scf.if %cond3A_240 {
        %dma_wait3A_241 = arith.constant 0 : i32
        %dma_wait3A_242 = arith.constant 0 : i32
        %dma_wait3A_243 = tpu.memref_slice %arg6[%rem3A_194, %dma_wait3A_241, %dma_wait3A_242] : memref<8x2x120xi32, #tpu.memory_space<vmem>> -> memref<1x2x120xi32, #tpu.memory_space<vmem>>
        %dma_wait3A_244 = tpu.memref_squeeze %dma_wait3A_243 : memref<1x2x120xi32, #tpu.memory_space<vmem>> -> memref<2x120xi32, #tpu.memory_space<vmem>>
        %dma_wait3A_245 = arith.constant 0 : i32
        %dma_wait3A_246 = arith.constant 0 : i32
        %dma_wait3A_247 = tpu.memref_slice %arg3[%dma_wait3A_245, %dma_wait3A_246] : memref<10688x120xi32, #tpu.memory_space<hbm>> -> memref<2x120xi32, #tpu.memory_space<hbm>>
        %dma_wait3A_248 = tpu.memref_slice %arg9[%rem3A_194] : memref<8x!tpu.dma_semaphore, #tpu.memory_space<semaphore_mem>> -> memref<1x!tpu.dma_semaphore, #tpu.memory_space<semaphore_mem>>
        %dma_wait3A_249 = tpu.memref_squeeze %dma_wait3A_248 : memref<1x!tpu.dma_semaphore, #tpu.memory_space<semaphore_mem>> -> memref<!tpu.dma_semaphore, #tpu.memory_space<semaphore_mem>>
        %dma_wait3A_250 = arith.constant 0 : i32
        %dma_wait3A_251 = arith.constant 0 : i32
        %dma_wait3A_252 = tpu.memref_slice %arg6[%rem3A_194, %dma_wait3A_250, %dma_wait3A_251] : memref<8x2x120xi32, #tpu.memory_space<vmem>> -> memref<1x2x120xi32, #tpu.memory_space<vmem>>
        %dma_wait3A_253 = tpu.memref_squeeze %dma_wait3A_252 : memref<1x2x120xi32, #tpu.memory_space<vmem>> -> memref<2x120xi32, #tpu.memory_space<vmem>>
        %dma_wait3A_254 = arith.constant 0 : i32
        %dma_wait3A_255 = arith.constant 0 : i32
        %dma_wait3A_256 = tpu.memref_slice %arg3[%dma_wait3A_254, %dma_wait3A_255] : memref<10688x120xi32, #tpu.memory_space<hbm>> -> memref<2x120xi32, #tpu.memory_space<hbm>>
        tpu.wait_dma2 semaphore(%dma_wait3A_249 : memref<!tpu.dma_semaphore, #tpu.memory_space<semaphore_mem>>) src(%dma_wait3A_256 : memref<2x120xi32, #tpu.memory_space<hbm>>) dst(%dma_wait3A_253 : memref<2x120xi32, #tpu.memory_space<vmem>>)
        %dma_start3A_257 = arith.constant 0 : i32
        %dma_start3A_258 = arith.constant 0 : i32
        %dma_start3A_259 = arith.constant 0 : i32
        %dma_start3A_260 = tpu.memref_slice %arg7[%rem3A_188, %dma_start3A_258, %dma_start3A_259] : memref<3x120x128xf32, #tpu.memory_space<vmem>> -> memref<1x120x128xf32, #tpu.memory_space<vmem>>
        %dma_start3A_261 = tpu.memref_squeeze %dma_start3A_260 : memref<1x120x128xf32, #tpu.memory_space<vmem>> -> memref<120x128xf32, #tpu.memory_space<vmem>>
        %dma_start3A_262 = arith.constant 0 : i32
        %dma_start3A_263 = tpu.memref_slice %arg6[%rem3A_194, %dma_start3A_257, %dma_start3A_262] : memref<8x2x120xi32, #tpu.memory_space<vmem>> -> memref<1x1x120xi32, #tpu.memory_space<vmem>>
        %dma_start3A_264 = tpu.memref_squeeze %dma_start3A_263 : memref<1x1x120xi32, #tpu.memory_space<vmem>> -> memref<120xi32, #tpu.memory_space<vmem>>
        %dma_start3A_265 = arith.constant 0 : i32
        %dma_start3A_266 = arith.constant 0 : i32
        %dma_start3A_267 = tpu.memref_slice %arg2[%dma_start3A_265, %dma_start3A_266] : memref<20000x128xf32, #tpu.memory_space<hbm>> -> memref<20000x128xf32, #tpu.memory_space<hbm>>
        %dma_start3A_268 = tpu.memref_slice %arg10[%rem3A_188] : memref<3x!tpu.dma_semaphore, #tpu.memory_space<semaphore_mem>> -> memref<1x!tpu.dma_semaphore, #tpu.memory_space<semaphore_mem>>
        %dma_start3A_269 = tpu.memref_squeeze %dma_start3A_268 : memref<1x!tpu.dma_semaphore, #tpu.memory_space<semaphore_mem>> -> memref<!tpu.dma_semaphore, #tpu.memory_space<semaphore_mem>>
        tpu.enqueue_indirect_dma source(%dma_start3A_267 : memref<20000x128xf32, #tpu.memory_space<hbm>>) target(%dma_start3A_261 : memref<120x128xf32, #tpu.memory_space<vmem>>) offsets(%dma_start3A_264 : memref<120xi32, #tpu.memory_space<vmem>>) semaphore(%dma_start3A_269 : memref<!tpu.dma_semaphore, #tpu.memory_space<semaphore_mem>>)
      } else {
      }
    }
    %scan3A_155 = arith.constant 167 : i32
    %dma_wait3A_156 = arith.constant 1 : i32
    %dma_wait3A_157 = arith.constant 0 : i32
    %dma_wait3A_158 = arith.constant 1 : i32
    %dma_wait3A_159 = arith.constant 1 : i32
    %dma_wait3A_160 = arith.constant 0 : i32
    %dma_wait3A_161 = arith.constant 0 : i32
    %dma_wait3A_162 = tpu.memref_slice %arg7[%dma_wait3A_156, %dma_wait3A_160, %dma_wait3A_161] : memref<3x120x128xf32, #tpu.memory_space<vmem>> -> memref<1x120x128xf32, #tpu.memory_space<vmem>>
    %dma_wait3A_163 = tpu.memref_squeeze %dma_wait3A_162 : memref<1x120x128xf32, #tpu.memory_space<vmem>> -> memref<120x128xf32, #tpu.memory_space<vmem>>
    %dma_wait3A_164 = arith.constant 0 : i32
    %dma_wait3A_165 = tpu.memref_slice %arg6[%dma_wait3A_157, %dma_wait3A_158, %dma_wait3A_164] : memref<8x2x120xi32, #tpu.memory_space<vmem>> -> memref<1x1x120xi32, #tpu.memory_space<vmem>>
    %dma_wait3A_166 = tpu.memref_squeeze %dma_wait3A_165 : memref<1x1x120xi32, #tpu.memory_space<vmem>> -> memref<120xi32, #tpu.memory_space<vmem>>
    %dma_wait3A_167 = arith.constant 0 : i32
    %dma_wait3A_168 = arith.constant 0 : i32
    %dma_wait3A_169 = tpu.memref_slice %arg8[%dma_wait3A_167, %dma_wait3A_168] : memref<10112x128xf32, #tpu.memory_space<vmem_shared>> -> memref<10112x128xf32, #tpu.memory_space<vmem_shared>>
    %dma_wait3A_170 = tpu.memref_slice %arg11[%dma_wait3A_159] : memref<3x!tpu.dma_semaphore, #tpu.memory_space<semaphore_mem>> -> memref<1x!tpu.dma_semaphore, #tpu.memory_space<semaphore_mem>>
    %dma_wait3A_171 = tpu.memref_squeeze %dma_wait3A_170 : memref<1x!tpu.dma_semaphore, #tpu.memory_space<semaphore_mem>> -> memref<!tpu.dma_semaphore, #tpu.memory_space<semaphore_mem>>
    tpu.wait_indirect_dma semaphore(%dma_wait3A_171 : memref<!tpu.dma_semaphore, #tpu.memory_space<semaphore_mem>>) src(%dma_wait3A_163 : memref<120x128xf32, #tpu.memory_space<vmem>>) dst(%dma_wait3A_169 : memref<10112x128xf32, #tpu.memory_space<vmem_shared>>)
    %barrier3A_172 = arith.constant 0 : index
    tpu.barrier barrier_id(%barrier3A_172)
    %mul3A_173 = arith.constant 632 : i32
    %mul3A_174 = arith.muli %arg1, %mul3A_173 : i32
    %mul3A_175 = arith.constant 10112 : i32
    %mul3A_176 = arith.muli %arg0, %mul3A_175 : i32
    %mul3A_177 = arith.constant 632 : i32
    %mul3A_178 = arith.muli %arg1, %mul3A_177 : i32
    %add3A_179 = arith.addi %mul3A_176, %mul3A_178 : i32
    "tpu.region"() ({
      %run_scoped3A = tpu.sem_alloc : memref<!tpu.dma_semaphore, #tpu.memory_space<semaphore_mem>>
      %dma_start3A_180 = arith.constant 0 : i32
      %dma_start3A_181 = tpu.memref_slice %arg5[%add3A_179, %dma_start3A_180] : memref<20224x128xf32, #tpu.memory_space<hbm>> -> memref<632x128xf32, #tpu.memory_space<hbm>>
      %dma_start3A_182 = arith.constant 0 : i32
      %dma_start3A_183 = tpu.memref_slice %arg8[%mul3A_174, %dma_start3A_182] : memref<10112x128xf32, #tpu.memory_space<vmem_shared>> -> memref<632x128xf32, #tpu.memory_space<vmem_shared>>
      tpu.enqueue_dma source(%dma_start3A_183 : memref<632x128xf32, #tpu.memory_space<vmem_shared>>) target(%dma_start3A_181 : memref<632x128xf32, #tpu.memory_space<hbm>>) target_semaphore(%run_scoped3A : memref<!tpu.dma_semaphore, #tpu.memory_space<semaphore_mem>>)
      %dma_wait3A_184 = arith.constant 0 : i32
      %dma_wait3A_185 = tpu.memref_slice %arg5[%add3A_179, %dma_wait3A_184] : memref<20224x128xf32, #tpu.memory_space<hbm>> -> memref<632x128xf32, #tpu.memory_space<hbm>>
      %dma_wait3A_186 = arith.constant 0 : i32
      %dma_wait3A_187 = tpu.memref_slice %arg8[%mul3A_174, %dma_wait3A_186] : memref<10112x128xf32, #tpu.memory_space<vmem_shared>> -> memref<632x128xf32, #tpu.memory_space<vmem_shared>>
      tpu.wait_dma2 semaphore(%run_scoped3A : memref<!tpu.dma_semaphore, #tpu.memory_space<semaphore_mem>>) src(%dma_wait3A_187 : memref<632x128xf32, #tpu.memory_space<vmem_shared>>) dst(%dma_wait3A_185 : memref<632x128xf32, #tpu.memory_space<hbm>>)
      tpu.yield
    }) : () -> ()
    return
  }
}

#map = affine_map<(d0, d1) -> (0, 0)>
module attributes {stable_mosaic.version = 14 : i64} {
  func.func @_sc_agg_body(%arg0: i32, %arg1: i32, %arg2: memref<20000x128xf32, #tpu.memory_space<hbm>>, %arg3: memref<10688x120xi32, #tpu.memory_space<hbm>>, %arg4: memref<632x128xf32, #tpu.memory_space<hbm>>, %arg5: memref<20224x128xf32, #tpu.memory_space<hbm>>, %arg6: memref<8x2x120xi32, #tpu.memory_space<vmem>>, %arg7: memref<3x120x128xf32, #tpu.memory_space<vmem>>, %arg8: memref<10112x128xf32, #tpu.memory_space<vmem_shared>>, %arg9: memref<8x!tpu.dma_semaphore, #tpu.memory_space<semaphore_mem>>, %arg10: memref<3x!tpu.dma_semaphore, #tpu.memory_space<semaphore_mem>>, %arg11: memref<3x!tpu.dma_semaphore, #tpu.memory_space<semaphore_mem>>) attributes {dimension_semantics = [#tpu.dimension_semantics<core_parallel>, #tpu.dimension_semantics<subcore_parallel>], iteration_bounds = array<i64: 2, 16>, scalar_prefetch = 0 : i64, scratch_operands = 6 : i64, tpu.core_type = #tpu.core_type<sc_vector_subcore>, window_params = [{transform_indices = #map}, {transform_indices = #map}, {transform_indices = #map}, {transform_indices = #map}]} {
    %mul3A = arith.constant 632 : i32
    %mul3A_0 = arith.muli %arg1, %mul3A : i32
    %dma_start3A = arith.constant 0 : i32
    %dma_start3A_1 = tpu.memref_slice %arg11[%dma_start3A] : memref<3x!tpu.dma_semaphore, #tpu.memory_space<semaphore_mem>> -> memref<1x!tpu.dma_semaphore, #tpu.memory_space<semaphore_mem>>
    %dma_start3A_2 = tpu.memref_squeeze %dma_start3A_1 : memref<1x!tpu.dma_semaphore, #tpu.memory_space<semaphore_mem>> -> memref<!tpu.dma_semaphore, #tpu.memory_space<semaphore_mem>>
    %dma_start3A_3 = arith.constant 0 : i32
    %dma_start3A_4 = tpu.memref_slice %arg8[%mul3A_0, %dma_start3A_3] : memref<10112x128xf32, #tpu.memory_space<vmem_shared>> -> memref<632x128xf32, #tpu.memory_space<vmem_shared>>
    tpu.enqueue_dma source(%arg4 : memref<632x128xf32, #tpu.memory_space<hbm>>) target(%dma_start3A_4 : memref<632x128xf32, #tpu.memory_space<vmem_shared>>) target_semaphore(%dma_start3A_2 : memref<!tpu.dma_semaphore, #tpu.memory_space<semaphore_mem>>)
    %mul3A_5 = arith.constant 5344 : i32
    %mul3A_6 = arith.muli %arg0, %mul3A_5 : i32
    %mul3A_7 = arith.constant 167 : i32
    %mul3A_8 = arith.muli %arg1, %mul3A_7 : i32
    %add3A = arith.constant 0 : i32
    %add3A_9 = arith.addi %mul3A_8, %add3A : i32
    %mul3A_10 = arith.constant 2 : i32
    %mul3A_11 = arith.muli %add3A_9, %mul3A_10 : i32
    %add3A_12 = arith.addi %mul3A_6, %mul3A_11 : i32
    %dma_start3A_13 = arith.constant 0 : i32
    %dma_start3A_14 = arith.constant 0 : i32
    %dma_start3A_15 = arith.constant 0 : i32
    %dma_start3A_16 = arith.constant 0 : i32
    %dma_start3A_17 = tpu.memref_slice %arg6[%dma_start3A_13, %dma_start3A_15, %dma_start3A_16] : memref<8x2x120xi32, #tpu.memory_space<vmem>> -> memref<1x2x120xi32, #tpu.memory_space<vmem>>
    %dma_start3A_18 = tpu.memref_squeeze %dma_start3A_17 : memref<1x2x120xi32, #tpu.memory_space<vmem>> -> memref<2x120xi32, #tpu.memory_space<vmem>>
    %dma_start3A_19 = arith.constant 0 : i32
    %dma_start3A_20 = tpu.memref_slice %arg3[%add3A_12, %dma_start3A_19] : memref<10688x120xi32, #tpu.memory_space<hbm>> -> memref<2x120xi32, #tpu.memory_space<hbm>>
    %dma_start3A_21 = tpu.memref_slice %arg9[%dma_start3A_14] : memref<8x!tpu.dma_semaphore, #tpu.memory_space<semaphore_mem>> -> memref<1x!tpu.dma_semaphore, #tpu.memory_space<semaphore_mem>>
    %dma_start3A_22 = tpu.memref_squeeze %dma_start3A_21 : memref<1x!tpu.dma_semaphore, #tpu.memory_space<semaphore_mem>> -> memref<!tpu.dma_semaphore, #tpu.memory_space<semaphore_mem>>
    %dma_start3A_23 = arith.constant 0 : i32
    %dma_start3A_24 = arith.constant 0 : i32
    %dma_start3A_25 = tpu.memref_slice %arg6[%dma_start3A_13, %dma_start3A_23, %dma_start3A_24] : memref<8x2x120xi32, #tpu.memory_space<vmem>> -> memref<1x2x120xi32, #tpu.memory_space<vmem>>
    %dma_start3A_26 = tpu.memref_squeeze %dma_start3A_25 : memref<1x2x120xi32, #tpu.memory_space<vmem>> -> memref<2x120xi32, #tpu.memory_space<vmem>>
    %dma_start3A_27 = arith.constant 0 : i32
    %dma_start3A_28 = tpu.memref_slice %arg3[%add3A_12, %dma_start3A_27] : memref<10688x120xi32, #tpu.memory_space<hbm>> -> memref<2x120xi32, #tpu.memory_space<hbm>>
    tpu.enqueue_dma source(%dma_start3A_28 : memref<2x120xi32, #tpu.memory_space<hbm>>) target(%dma_start3A_26 : memref<2x120xi32, #tpu.memory_space<vmem>>) target_semaphore(%dma_start3A_22 : memref<!tpu.dma_semaphore, #tpu.memory_space<semaphore_mem>>)
    %mul3A_29 = arith.constant 5344 : i32
    %mul3A_30 = arith.muli %arg0, %mul3A_29 : i32
    %mul3A_31 = arith.constant 167 : i32
    %mul3A_32 = arith.muli %arg1, %mul3A_31 : i32
    %add3A_33 = arith.constant 1 : i32
    %add3A_34 = arith.addi %mul3A_32, %add3A_33 : i32
    %mul3A_35 = arith.constant 2 : i32
    %mul3A_36 = arith.muli %add3A_34, %mul3A_35 : i32
    %add3A_37 = arith.addi %mul3A_30, %mul3A_36 : i32
    %dma_start3A_38 = arith.constant 1 : i32
    %dma_start3A_39 = arith.constant 1 : i32
    %dma_start3A_40 = arith.constant 0 : i32
    %dma_start3A_41 = arith.constant 0 : i32
    %dma_start3A_42 = tpu.memref_slice %arg6[%dma_start3A_38, %dma_start3A_40, %dma_start3A_41] : memref<8x2x120xi32, #tpu.memory_space<vmem>> -> memref<1x2x120xi32, #tpu.memory_space<vmem>>
    %dma_start3A_43 = tpu.memref_squeeze %dma_start3A_42 : memref<1x2x120xi32, #tpu.memory_space<vmem>> -> memref<2x120xi32, #tpu.memory_space<vmem>>
    %dma_start3A_44 = arith.constant 0 : i32
    %dma_start3A_45 = tpu.memref_slice %arg3[%add3A_37, %dma_start3A_44] : memref<10688x120xi32, #tpu.memory_space<hbm>> -> memref<2x120xi32, #tpu.memory_space<hbm>>
    %dma_start3A_46 = tpu.memref_slice %arg9[%dma_start3A_39] : memref<8x!tpu.dma_semaphore, #tpu.memory_space<semaphore_mem>> -> memref<1x!tpu.dma_semaphore, #tpu.memory_space<semaphore_mem>>
    %dma_start3A_47 = tpu.memref_squeeze %dma_start3A_46 : memref<1x!tpu.dma_semaphore, #tpu.memory_space<semaphore_mem>> -> memref<!tpu.dma_semaphore, #tpu.memory_space<semaphore_mem>>
    %dma_start3A_48 = arith.constant 0 : i32
    %dma_start3A_49 = arith.constant 0 : i32
    %dma_start3A_50 = tpu.memref_slice %arg6[%dma_start3A_38, %dma_start3A_48, %dma_start3A_49] : memref<8x2x120xi32, #tpu.memory_space<vmem>> -> memref<1x2x120xi32, #tpu.memory_space<vmem>>
    %dma_start3A_51 = tpu.memref_squeeze %dma_start3A_50 : memref<1x2x120xi32, #tpu.memory_space<vmem>> -> memref<2x120xi32, #tpu.memory_space<vmem>>
    %dma_start3A_52 = arith.constant 0 : i32
    %dma_start3A_53 = tpu.memref_slice %arg3[%add3A_37, %dma_start3A_52] : memref<10688x120xi32, #tpu.memory_space<hbm>> -> memref<2x120xi32, #tpu.memory_space<hbm>>
    tpu.enqueue_dma source(%dma_start3A_53 : memref<2x120xi32, #tpu.memory_space<hbm>>) target(%dma_start3A_51 : memref<2x120xi32, #tpu.memory_space<vmem>>) target_semaphore(%dma_start3A_47 : memref<!tpu.dma_semaphore, #tpu.memory_space<semaphore_mem>>)
    %mul3A_54 = arith.constant 5344 : i32
    %mul3A_55 = arith.muli %arg0, %mul3A_54 : i32
    %mul3A_56 = arith.constant 167 : i32
    %mul3A_57 = arith.muli %arg1, %mul3A_56 : i32
    %add3A_58 = arith.constant 2 : i32
    %add3A_59 = arith.addi %mul3A_57, %add3A_58 : i32
    %mul3A_60 = arith.constant 2 : i32
    %mul3A_61 = arith.muli %add3A_59, %mul3A_60 : i32
    %add3A_62 = arith.addi %mul3A_55, %mul3A_61 : i32
    %dma_start3A_63 = arith.constant 2 : i32
    %dma_start3A_64 = arith.constant 2 : i32
    %dma_start3A_65 = arith.constant 0 : i32
    %dma_start3A_66 = arith.constant 0 : i32
    %dma_start3A_67 = tpu.memref_slice %arg6[%dma_start3A_63, %dma_start3A_65, %dma_start3A_66] : memref<8x2x120xi32, #tpu.memory_space<vmem>> -> memref<1x2x120xi32, #tpu.memory_space<vmem>>
    %dma_start3A_68 = tpu.memref_squeeze %dma_start3A_67 : memref<1x2x120xi32, #tpu.memory_space<vmem>> -> memref<2x120xi32, #tpu.memory_space<vmem>>
    %dma_start3A_69 = arith.constant 0 : i32
    %dma_start3A_70 = tpu.memref_slice %arg3[%add3A_62, %dma_start3A_69] : memref<10688x120xi32, #tpu.memory_space<hbm>> -> memref<2x120xi32, #tpu.memory_space<hbm>>
    %dma_start3A_71 = tpu.memref_slice %arg9[%dma_start3A_64] : memref<8x!tpu.dma_semaphore, #tpu.memory_space<semaphore_mem>> -> memref<1x!tpu.dma_semaphore, #tpu.memory_space<semaphore_mem>>
    %dma_start3A_72 = tpu.memref_squeeze %dma_start3A_71 : memref<1x!tpu.dma_semaphore, #tpu.memory_space<semaphore_mem>> -> memref<!tpu.dma_semaphore, #tpu.memory_space<semaphore_mem>>
    %dma_start3A_73 = arith.constant 0 : i32
    %dma_start3A_74 = arith.constant 0 : i32
    %dma_start3A_75 = tpu.memref_slice %arg6[%dma_start3A_63, %dma_start3A_73, %dma_start3A_74] : memref<8x2x120xi32, #tpu.memory_space<vmem>> -> memref<1x2x120xi32, #tpu.memory_space<vmem>>
    %dma_start3A_76 = tpu.memref_squeeze %dma_start3A_75 : memref<1x2x120xi32, #tpu.memory_space<vmem>> -> memref<2x120xi32, #tpu.memory_space<vmem>>
    %dma_start3A_77 = arith.constant 0 : i32
    %dma_start3A_78 = tpu.memref_slice %arg3[%add3A_62, %dma_start3A_77] : memref<10688x120xi32, #tpu.memory_space<hbm>> -> memref<2x120xi32, #tpu.memory_space<hbm>>
    tpu.enqueue_dma source(%dma_start3A_78 : memref<2x120xi32, #tpu.memory_space<hbm>>) target(%dma_start3A_76 : memref<2x120xi32, #tpu.memory_space<vmem>>) target_semaphore(%dma_start3A_72 : memref<!tpu.dma_semaphore, #tpu.memory_space<semaphore_mem>>)
    %dma_wait3A = arith.constant 0 : i32
    %dma_wait3A_79 = arith.constant 0 : i32
    %dma_wait3A_80 = arith.constant 0 : i32
    %dma_wait3A_81 = arith.constant 0 : i32
    %dma_wait3A_82 = tpu.memref_slice %arg6[%dma_wait3A, %dma_wait3A_80, %dma_wait3A_81] : memref<8x2x120xi32, #tpu.memory_space<vmem>> -> memref<1x2x120xi32, #tpu.memory_space<vmem>>
    %dma_wait3A_83 = tpu.memref_squeeze %dma_wait3A_82 : memref<1x2x120xi32, #tpu.memory_space<vmem>> -> memref<2x120xi32, #tpu.memory_space<vmem>>
    %dma_wait3A_84 = arith.constant 0 : i32
    %dma_wait3A_85 = arith.constant 0 : i32
    %dma_wait3A_86 = tpu.memref_slice %arg3[%dma_wait3A_84, %dma_wait3A_85] : memref<10688x120xi32, #tpu.memory_space<hbm>> -> memref<2x120xi32, #tpu.memory_space<hbm>>
    %dma_wait3A_87 = tpu.memref_slice %arg9[%dma_wait3A_79] : memref<8x!tpu.dma_semaphore, #tpu.memory_space<semaphore_mem>> -> memref<1x!tpu.dma_semaphore, #tpu.memory_space<semaphore_mem>>
    %dma_wait3A_88 = tpu.memref_squeeze %dma_wait3A_87 : memref<1x!tpu.dma_semaphore, #tpu.memory_space<semaphore_mem>> -> memref<!tpu.dma_semaphore, #tpu.memory_space<semaphore_mem>>
    %dma_wait3A_89 = arith.constant 0 : i32
    %dma_wait3A_90 = arith.constant 0 : i32
    %dma_wait3A_91 = tpu.memref_slice %arg6[%dma_wait3A, %dma_wait3A_89, %dma_wait3A_90] : memref<8x2x120xi32, #tpu.memory_space<vmem>> -> memref<1x2x120xi32, #tpu.memory_space<vmem>>
    %dma_wait3A_92 = tpu.memref_squeeze %dma_wait3A_91 : memref<1x2x120xi32, #tpu.memory_space<vmem>> -> memref<2x120xi32, #tpu.memory_space<vmem>>
    %dma_wait3A_93 = arith.constant 0 : i32
    %dma_wait3A_94 = arith.constant 0 : i32
    %dma_wait3A_95 = tpu.memref_slice %arg3[%dma_wait3A_93, %dma_wait3A_94] : memref<10688x120xi32, #tpu.memory_space<hbm>> -> memref<2x120xi32, #tpu.memory_space<hbm>>
    tpu.wait_dma2 semaphore(%dma_wait3A_88 : memref<!tpu.dma_semaphore, #tpu.memory_space<semaphore_mem>>) src(%dma_wait3A_95 : memref<2x120xi32, #tpu.memory_space<hbm>>) dst(%dma_wait3A_92 : memref<2x120xi32, #tpu.memory_space<vmem>>)
    %dma_start3A_96 = arith.constant 0 : i32
    %dma_start3A_97 = arith.constant 0 : i32
    %dma_start3A_98 = arith.constant 0 : i32
    %dma_start3A_99 = arith.constant 0 : i32
    %dma_start3A_100 = arith.constant 0 : i32
    %dma_start3A_101 = arith.constant 0 : i32
    %dma_start3A_102 = tpu.memref_slice %arg7[%dma_start3A_98, %dma_start3A_100, %dma_start3A_101] : memref<3x120x128xf32, #tpu.memory_space<vmem>> -> memref<1x120x128xf32, #tpu.memory_space<vmem>>
    %dma_start3A_103 = tpu.memref_squeeze %dma_start3A_102 : memref<1x120x128xf32, #tpu.memory_space<vmem>> -> memref<120x128xf32, #tpu.memory_space<vmem>>
    %dma_start3A_104 = arith.constant 0 : i32
    %dma_start3A_105 = tpu.memref_slice %arg6[%dma_start3A_96, %dma_start3A_97, %dma_start3A_104] : memref<8x2x120xi32, #tpu.memory_space<vmem>> -> memref<1x1x120xi32, #tpu.memory_space<vmem>>
    %dma_start3A_106 = tpu.memref_squeeze %dma_start3A_105 : memref<1x1x120xi32, #tpu.memory_space<vmem>> -> memref<120xi32, #tpu.memory_space<vmem>>
    %dma_start3A_107 = arith.constant 0 : i32
    %dma_start3A_108 = arith.constant 0 : i32
    %dma_start3A_109 = tpu.memref_slice %arg2[%dma_start3A_107, %dma_start3A_108] : memref<20000x128xf32, #tpu.memory_space<hbm>> -> memref<20000x128xf32, #tpu.memory_space<hbm>>
    %dma_start3A_110 = tpu.memref_slice %arg10[%dma_start3A_99] : memref<3x!tpu.dma_semaphore, #tpu.memory_space<semaphore_mem>> -> memref<1x!tpu.dma_semaphore, #tpu.memory_space<semaphore_mem>>
    %dma_start3A_111 = tpu.memref_squeeze %dma_start3A_110 : memref<1x!tpu.dma_semaphore, #tpu.memory_space<semaphore_mem>> -> memref<!tpu.dma_semaphore, #tpu.memory_space<semaphore_mem>>
    tpu.enqueue_indirect_dma source(%dma_start3A_109 : memref<20000x128xf32, #tpu.memory_space<hbm>>) target(%dma_start3A_103 : memref<120x128xf32, #tpu.memory_space<vmem>>) offsets(%dma_start3A_106 : memref<120xi32, #tpu.memory_space<vmem>>) semaphore(%dma_start3A_111 : memref<!tpu.dma_semaphore, #tpu.memory_space<semaphore_mem>>)
    %dma_wait3A_112 = arith.constant 1 : i32
    %dma_wait3A_113 = arith.constant 1 : i32
    %dma_wait3A_114 = arith.constant 0 : i32
    %dma_wait3A_115 = arith.constant 0 : i32
    %dma_wait3A_116 = tpu.memref_slice %arg6[%dma_wait3A_112, %dma_wait3A_114, %dma_wait3A_115] : memref<8x2x120xi32, #tpu.memory_space<vmem>> -> memref<1x2x120xi32, #tpu.memory_space<vmem>>
    %dma_wait3A_117 = tpu.memref_squeeze %dma_wait3A_116 : memref<1x2x120xi32, #tpu.memory_space<vmem>> -> memref<2x120xi32, #tpu.memory_space<vmem>>
    %dma_wait3A_118 = arith.constant 0 : i32
    %dma_wait3A_119 = arith.constant 0 : i32
    %dma_wait3A_120 = tpu.memref_slice %arg3[%dma_wait3A_118, %dma_wait3A_119] : memref<10688x120xi32, #tpu.memory_space<hbm>> -> memref<2x120xi32, #tpu.memory_space<hbm>>
    %dma_wait3A_121 = tpu.memref_slice %arg9[%dma_wait3A_113] : memref<8x!tpu.dma_semaphore, #tpu.memory_space<semaphore_mem>> -> memref<1x!tpu.dma_semaphore, #tpu.memory_space<semaphore_mem>>
    %dma_wait3A_122 = tpu.memref_squeeze %dma_wait3A_121 : memref<1x!tpu.dma_semaphore, #tpu.memory_space<semaphore_mem>> -> memref<!tpu.dma_semaphore, #tpu.memory_space<semaphore_mem>>
    %dma_wait3A_123 = arith.constant 0 : i32
    %dma_wait3A_124 = arith.constant 0 : i32
    %dma_wait3A_125 = tpu.memref_slice %arg6[%dma_wait3A_112, %dma_wait3A_123, %dma_wait3A_124] : memref<8x2x120xi32, #tpu.memory_space<vmem>> -> memref<1x2x120xi32, #tpu.memory_space<vmem>>
    %dma_wait3A_126 = tpu.memref_squeeze %dma_wait3A_125 : memref<1x2x120xi32, #tpu.memory_space<vmem>> -> memref<2x120xi32, #tpu.memory_space<vmem>>
    %dma_wait3A_127 = arith.constant 0 : i32
    %dma_wait3A_128 = arith.constant 0 : i32
    %dma_wait3A_129 = tpu.memref_slice %arg3[%dma_wait3A_127, %dma_wait3A_128] : memref<10688x120xi32, #tpu.memory_space<hbm>> -> memref<2x120xi32, #tpu.memory_space<hbm>>
    tpu.wait_dma2 semaphore(%dma_wait3A_122 : memref<!tpu.dma_semaphore, #tpu.memory_space<semaphore_mem>>) src(%dma_wait3A_129 : memref<2x120xi32, #tpu.memory_space<hbm>>) dst(%dma_wait3A_126 : memref<2x120xi32, #tpu.memory_space<vmem>>)
    %dma_start3A_130 = arith.constant 1 : i32
    %dma_start3A_131 = arith.constant 0 : i32
    %dma_start3A_132 = arith.constant 1 : i32
    %dma_start3A_133 = arith.constant 1 : i32
    %dma_start3A_134 = arith.constant 0 : i32
    %dma_start3A_135 = arith.constant 0 : i32
    %dma_start3A_136 = tpu.memref_slice %arg7[%dma_start3A_132, %dma_start3A_134, %dma_start3A_135] : memref<3x120x128xf32, #tpu.memory_space<vmem>> -> memref<1x120x128xf32, #tpu.memory_space<vmem>>
    %dma_start3A_137 = tpu.memref_squeeze %dma_start3A_136 : memref<1x120x128xf32, #tpu.memory_space<vmem>> -> memref<120x128xf32, #tpu.memory_space<vmem>>
    %dma_start3A_138 = arith.constant 0 : i32
    %dma_start3A_139 = tpu.memref_slice %arg6[%dma_start3A_130, %dma_start3A_131, %dma_start3A_138] : memref<8x2x120xi32, #tpu.memory_space<vmem>> -> memref<1x1x120xi32, #tpu.memory_space<vmem>>
    %dma_start3A_140 = tpu.memref_squeeze %dma_start3A_139 : memref<1x1x120xi32, #tpu.memory_space<vmem>> -> memref<120xi32, #tpu.memory_space<vmem>>
    %dma_start3A_141 = arith.constant 0 : i32
    %dma_start3A_142 = arith.constant 0 : i32
    %dma_start3A_143 = tpu.memref_slice %arg2[%dma_start3A_141, %dma_start3A_142] : memref<20000x128xf32, #tpu.memory_space<hbm>> -> memref<20000x128xf32, #tpu.memory_space<hbm>>
    %dma_start3A_144 = tpu.memref_slice %arg10[%dma_start3A_133] : memref<3x!tpu.dma_semaphore, #tpu.memory_space<semaphore_mem>> -> memref<1x!tpu.dma_semaphore, #tpu.memory_space<semaphore_mem>>
    %dma_start3A_145 = tpu.memref_squeeze %dma_start3A_144 : memref<1x!tpu.dma_semaphore, #tpu.memory_space<semaphore_mem>> -> memref<!tpu.dma_semaphore, #tpu.memory_space<semaphore_mem>>
    tpu.enqueue_indirect_dma source(%dma_start3A_143 : memref<20000x128xf32, #tpu.memory_space<hbm>>) target(%dma_start3A_137 : memref<120x128xf32, #tpu.memory_space<vmem>>) offsets(%dma_start3A_140 : memref<120xi32, #tpu.memory_space<vmem>>) semaphore(%dma_start3A_145 : memref<!tpu.dma_semaphore, #tpu.memory_space<semaphore_mem>>)
    %dma_wait3A_146 = arith.constant 0 : i32
    %dma_wait3A_147 = tpu.memref_slice %arg11[%dma_wait3A_146] : memref<3x!tpu.dma_semaphore, #tpu.memory_space<semaphore_mem>> -> memref<1x!tpu.dma_semaphore, #tpu.memory_space<semaphore_mem>>
    %dma_wait3A_148 = tpu.memref_squeeze %dma_wait3A_147 : memref<1x!tpu.dma_semaphore, #tpu.memory_space<semaphore_mem>> -> memref<!tpu.dma_semaphore, #tpu.memory_space<semaphore_mem>>
    %dma_wait3A_149 = arith.constant 0 : i32
    %dma_wait3A_150 = tpu.memref_slice %arg8[%mul3A_0, %dma_wait3A_149] : memref<10112x128xf32, #tpu.memory_space<vmem_shared>> -> memref<632x128xf32, #tpu.memory_space<vmem_shared>>
    tpu.wait_dma2 semaphore(%dma_wait3A_148 : memref<!tpu.dma_semaphore, #tpu.memory_space<semaphore_mem>>) src(%arg4 : memref<632x128xf32, #tpu.memory_space<hbm>>) dst(%dma_wait3A_150 : memref<632x128xf32, #tpu.memory_space<vmem_shared>>)
    %barrier3A = arith.constant 0 : index
    tpu.barrier barrier_id(%barrier3A)
    %scan3A = arith.constant 0 : i32
    %scan3A_151 = arith.constant 0 : i32
    %scan3A_152 = arith.constant 167 : i32
    %scan3A_153 = arith.addi %scan3A_151, %scan3A_152 : i32
    %scan3A_154 = arith.constant 1 : i32
    scf.for %scan3A_180 = %scan3A_151 to %scan3A_153 step %scan3A_154  : i32 {
      %rem3A = arith.constant 3 : i32
      %rem3A_181 = arith.remsi %scan3A_180, %rem3A : i32
      %sub3A = arith.constant 1 : i32
      %sub3A_182 = arith.subi %scan3A_180, %sub3A : i32
      %rem3A_183 = arith.constant 3 : i32
      %rem3A_184 = arith.remsi %sub3A_182, %rem3A_183 : i32
      %add3A_185 = arith.constant 2 : i32
      %add3A_186 = arith.addi %scan3A_180, %add3A_185 : i32
      %rem3A_187 = arith.constant 3 : i32
      %rem3A_188 = arith.remsi %add3A_186, %rem3A_187 : i32
      %rem3A_189 = arith.constant 8 : i32
      %rem3A_190 = arith.remsi %scan3A_180, %rem3A_189 : i32
      %add3A_191 = arith.constant 2 : i32
      %add3A_192 = arith.addi %scan3A_180, %add3A_191 : i32
      %rem3A_193 = arith.constant 8 : i32
      %rem3A_194 = arith.remsi %add3A_192, %rem3A_193 : i32
      %add3A_195 = arith.constant 3 : i32
      %add3A_196 = arith.addi %scan3A_180, %add3A_195 : i32
      %rem3A_197 = arith.constant 8 : i32
      %rem3A_198 = arith.remsi %add3A_196, %rem3A_197 : i32
      %dma_wait3A_199 = arith.constant 0 : i32
      %dma_wait3A_200 = arith.constant 0 : i32
      %dma_wait3A_201 = arith.constant 0 : i32
      %dma_wait3A_202 = arith.constant 0 : i32
      %dma_wait3A_203 = tpu.memref_slice %arg7[%rem3A_181, %dma_wait3A_201, %dma_wait3A_202] : memref<3x120x128xf32, #tpu.memory_space<vmem>> -> memref<1x120x128xf32, #tpu.memory_space<vmem>>
      %dma_wait3A_204 = tpu.memref_squeeze %dma_wait3A_203 : memref<1x120x128xf32, #tpu.memory_space<vmem>> -> memref<120x128xf32, #tpu.memory_space<vmem>>
      %dma_wait3A_205 = arith.constant 0 : i32
      %dma_wait3A_206 = tpu.memref_slice %arg6[%dma_wait3A_199, %dma_wait3A_200, %dma_wait3A_205] : memref<8x2x120xi32, #tpu.memory_space<vmem>> -> memref<1x1x120xi32, #tpu.memory_space<vmem>>
      %dma_wait3A_207 = tpu.memref_squeeze %dma_wait3A_206 : memref<1x1x120xi32, #tpu.memory_space<vmem>> -> memref<120xi32, #tpu.memory_space<vmem>>
      %dma_wait3A_208 = arith.constant 0 : i32
      %dma_wait3A_209 = arith.constant 0 : i32
      %dma_wait3A_210 = tpu.memref_slice %arg2[%dma_wait3A_208, %dma_wait3A_209] : memref<20000x128xf32, #tpu.memory_space<hbm>> -> memref<20000x128xf32, #tpu.memory_space<hbm>>
      %dma_wait3A_211 = tpu.memref_slice %arg10[%rem3A_181] : memref<3x!tpu.dma_semaphore, #tpu.memory_space<semaphore_mem>> -> memref<1x!tpu.dma_semaphore, #tpu.memory_space<semaphore_mem>>
      %dma_wait3A_212 = tpu.memref_squeeze %dma_wait3A_211 : memref<1x!tpu.dma_semaphore, #tpu.memory_space<semaphore_mem>> -> memref<!tpu.dma_semaphore, #tpu.memory_space<semaphore_mem>>
      tpu.wait_indirect_dma semaphore(%dma_wait3A_212 : memref<!tpu.dma_semaphore, #tpu.memory_space<semaphore_mem>>) src(%dma_wait3A_210 : memref<20000x128xf32, #tpu.memory_space<hbm>>) dst(%dma_wait3A_204 : memref<120x128xf32, #tpu.memory_space<vmem>>)
      %dma_start3A_213 = arith.constant 1 : i32
      %dma_start3A_214 = arith.constant 0 : i32
      %dma_start3A_215 = arith.constant 0 : i32
      %dma_start3A_216 = tpu.memref_slice %arg7[%rem3A_181, %dma_start3A_214, %dma_start3A_215] : memref<3x120x128xf32, #tpu.memory_space<vmem>> -> memref<1x120x128xf32, #tpu.memory_space<vmem>>
      %dma_start3A_217 = tpu.memref_squeeze %dma_start3A_216 : memref<1x120x128xf32, #tpu.memory_space<vmem>> -> memref<120x128xf32, #tpu.memory_space<vmem>>
      %dma_start3A_218 = arith.constant 0 : i32
      %dma_start3A_219 = tpu.memref_slice %arg6[%rem3A_190, %dma_start3A_213, %dma_start3A_218] : memref<8x2x120xi32, #tpu.memory_space<vmem>> -> memref<1x1x120xi32, #tpu.memory_space<vmem>>
      %dma_start3A_220 = tpu.memref_squeeze %dma_start3A_219 : memref<1x1x120xi32, #tpu.memory_space<vmem>> -> memref<120xi32, #tpu.memory_space<vmem>>
      %dma_start3A_221 = arith.constant 0 : i32
      %dma_start3A_222 = arith.constant 0 : i32
      %dma_start3A_223 = tpu.memref_slice %arg8[%dma_start3A_221, %dma_start3A_222] : memref<10112x128xf32, #tpu.memory_space<vmem_shared>> -> memref<10112x128xf32, #tpu.memory_space<vmem_shared>>
      %dma_start3A_224 = tpu.memref_slice %arg11[%rem3A_181] : memref<3x!tpu.dma_semaphore, #tpu.memory_space<semaphore_mem>> -> memref<1x!tpu.dma_semaphore, #tpu.memory_space<semaphore_mem>>
      %dma_start3A_225 = tpu.memref_squeeze %dma_start3A_224 : memref<1x!tpu.dma_semaphore, #tpu.memory_space<semaphore_mem>> -> memref<!tpu.dma_semaphore, #tpu.memory_space<semaphore_mem>>
      tpu.enqueue_indirect_dma source(%dma_start3A_217 : memref<120x128xf32, #tpu.memory_space<vmem>>) target(%dma_start3A_223 : memref<10112x128xf32, #tpu.memory_space<vmem_shared>>) offsets(%dma_start3A_220 : memref<120xi32, #tpu.memory_space<vmem>>) semaphore(%dma_start3A_225 : memref<!tpu.dma_semaphore, #tpu.memory_space<semaphore_mem>>) {add = true}
      %ge3A = arith.constant 1 : i32
      %ge3A_226 = arith.cmpi sge, %scan3A_180, %ge3A : i32
      %convert_element_type3A = arith.extui %ge3A_226 : i1 to i32
      %cond3A = arith.constant 0 : i32
      %cond3A_227 = arith.cmpi ne, %convert_element_type3A, %cond3A : i32
      scf.if %cond3A_227 {
        %dma_wait3A_241 = arith.constant 0 : i32
        %dma_wait3A_242 = arith.constant 1 : i32
        %dma_wait3A_243 = arith.constant 0 : i32
        %dma_wait3A_244 = arith.constant 0 : i32
        %dma_wait3A_245 = tpu.memref_slice %arg7[%rem3A_184, %dma_wait3A_243, %dma_wait3A_244] : memref<3x120x128xf32, #tpu.memory_space<vmem>> -> memref<1x120x128xf32, #tpu.memory_space<vmem>>
        %dma_wait3A_246 = tpu.memref_squeeze %dma_wait3A_245 : memref<1x120x128xf32, #tpu.memory_space<vmem>> -> memref<120x128xf32, #tpu.memory_space<vmem>>
        %dma_wait3A_247 = arith.constant 0 : i32
        %dma_wait3A_248 = tpu.memref_slice %arg6[%dma_wait3A_241, %dma_wait3A_242, %dma_wait3A_247] : memref<8x2x120xi32, #tpu.memory_space<vmem>> -> memref<1x1x120xi32, #tpu.memory_space<vmem>>
        %dma_wait3A_249 = tpu.memref_squeeze %dma_wait3A_248 : memref<1x1x120xi32, #tpu.memory_space<vmem>> -> memref<120xi32, #tpu.memory_space<vmem>>
        %dma_wait3A_250 = arith.constant 0 : i32
        %dma_wait3A_251 = arith.constant 0 : i32
        %dma_wait3A_252 = tpu.memref_slice %arg8[%dma_wait3A_250, %dma_wait3A_251] : memref<10112x128xf32, #tpu.memory_space<vmem_shared>> -> memref<10112x128xf32, #tpu.memory_space<vmem_shared>>
        %dma_wait3A_253 = tpu.memref_slice %arg11[%rem3A_184] : memref<3x!tpu.dma_semaphore, #tpu.memory_space<semaphore_mem>> -> memref<1x!tpu.dma_semaphore, #tpu.memory_space<semaphore_mem>>
        %dma_wait3A_254 = tpu.memref_squeeze %dma_wait3A_253 : memref<1x!tpu.dma_semaphore, #tpu.memory_space<semaphore_mem>> -> memref<!tpu.dma_semaphore, #tpu.memory_space<semaphore_mem>>
        tpu.wait_indirect_dma semaphore(%dma_wait3A_254 : memref<!tpu.dma_semaphore, #tpu.memory_space<semaphore_mem>>) src(%dma_wait3A_246 : memref<120x128xf32, #tpu.memory_space<vmem>>) dst(%dma_wait3A_252 : memref<10112x128xf32, #tpu.memory_space<vmem_shared>>)
      } else {
      }
      %add3A_228 = arith.constant 3 : i32
      %add3A_229 = arith.addi %scan3A_180, %add3A_228 : i32
      %lt3A = arith.constant 167 : i32
      %lt3A_230 = arith.cmpi slt, %add3A_229, %lt3A : i32
      %convert_element_type3A_231 = arith.extui %lt3A_230 : i1 to i32
      %cond3A_232 = arith.constant 0 : i32
      %cond3A_233 = arith.cmpi ne, %convert_element_type3A_231, %cond3A_232 : i32
      scf.if %cond3A_233 {
        %add3A_241 = arith.constant 3 : i32
        %add3A_242 = arith.addi %scan3A_180, %add3A_241 : i32
        %mul3A_243 = arith.constant 5344 : i32
        %mul3A_244 = arith.muli %arg0, %mul3A_243 : i32
        %mul3A_245 = arith.constant 167 : i32
        %mul3A_246 = arith.muli %arg1, %mul3A_245 : i32
        %add3A_247 = arith.addi %mul3A_246, %add3A_242 : i32
        %mul3A_248 = arith.constant 2 : i32
        %mul3A_249 = arith.muli %add3A_247, %mul3A_248 : i32
        %add3A_250 = arith.addi %mul3A_244, %mul3A_249 : i32
        %dma_start3A_251 = arith.constant 0 : i32
        %dma_start3A_252 = arith.constant 0 : i32
        %dma_start3A_253 = tpu.memref_slice %arg6[%rem3A_198, %dma_start3A_251, %dma_start3A_252] : memref<8x2x120xi32, #tpu.memory_space<vmem>> -> memref<1x2x120xi32, #tpu.memory_space<vmem>>
        %dma_start3A_254 = tpu.memref_squeeze %dma_start3A_253 : memref<1x2x120xi32, #tpu.memory_space<vmem>> -> memref<2x120xi32, #tpu.memory_space<vmem>>
        %dma_start3A_255 = arith.constant 0 : i32
        %dma_start3A_256 = tpu.memref_slice %arg3[%add3A_250, %dma_start3A_255] : memref<10688x120xi32, #tpu.memory_space<hbm>> -> memref<2x120xi32, #tpu.memory_space<hbm>>
        %dma_start3A_257 = tpu.memref_slice %arg9[%rem3A_198] : memref<8x!tpu.dma_semaphore, #tpu.memory_space<semaphore_mem>> -> memref<1x!tpu.dma_semaphore, #tpu.memory_space<semaphore_mem>>
        %dma_start3A_258 = tpu.memref_squeeze %dma_start3A_257 : memref<1x!tpu.dma_semaphore, #tpu.memory_space<semaphore_mem>> -> memref<!tpu.dma_semaphore, #tpu.memory_space<semaphore_mem>>
        %dma_start3A_259 = arith.constant 0 : i32
        %dma_start3A_260 = arith.constant 0 : i32
        %dma_start3A_261 = tpu.memref_slice %arg6[%rem3A_198, %dma_start3A_259, %dma_start3A_260] : memref<8x2x120xi32, #tpu.memory_space<vmem>> -> memref<1x2x120xi32, #tpu.memory_space<vmem>>
        %dma_start3A_262 = tpu.memref_squeeze %dma_start3A_261 : memref<1x2x120xi32, #tpu.memory_space<vmem>> -> memref<2x120xi32, #tpu.memory_space<vmem>>
        %dma_start3A_263 = arith.constant 0 : i32
        %dma_start3A_264 = tpu.memref_slice %arg3[%add3A_250, %dma_start3A_263] : memref<10688x120xi32, #tpu.memory_space<hbm>> -> memref<2x120xi32, #tpu.memory_space<hbm>>
        tpu.enqueue_dma source(%dma_start3A_264 : memref<2x120xi32, #tpu.memory_space<hbm>>) target(%dma_start3A_262 : memref<2x120xi32, #tpu.memory_space<vmem>>) target_semaphore(%dma_start3A_258 : memref<!tpu.dma_semaphore, #tpu.memory_space<semaphore_mem>>)
      } else {
      }
      %add3A_234 = arith.constant 2 : i32
      %add3A_235 = arith.addi %scan3A_180, %add3A_234 : i32
      %lt3A_236 = arith.constant 167 : i32
      %lt3A_237 = arith.cmpi slt, %add3A_235, %lt3A_236 : i32
      %convert_element_type3A_238 = arith.extui %lt3A_237 : i1 to i32
      %cond3A_239 = arith.constant 0 : i32
      %cond3A_240 = arith.cmpi ne, %convert_element_type3A_238, %cond3A_239 : i32
      scf.if %cond3A_240 {
        %dma_wait3A_241 = arith.constant 0 : i32
        %dma_wait3A_242 = arith.constant 0 : i32
        %dma_wait3A_243 = tpu.memref_slice %arg6[%rem3A_194, %dma_wait3A_241, %dma_wait3A_242] : memref<8x2x120xi32, #tpu.memory_space<vmem>> -> memref<1x2x120xi32, #tpu.memory_space<vmem>>
        %dma_wait3A_244 = tpu.memref_squeeze %dma_wait3A_243 : memref<1x2x120xi32, #tpu.memory_space<vmem>> -> memref<2x120xi32, #tpu.memory_space<vmem>>
        %dma_wait3A_245 = arith.constant 0 : i32
        %dma_wait3A_246 = arith.constant 0 : i32
        %dma_wait3A_247 = tpu.memref_slice %arg3[%dma_wait3A_245, %dma_wait3A_246] : memref<10688x120xi32, #tpu.memory_space<hbm>> -> memref<2x120xi32, #tpu.memory_space<hbm>>
        %dma_wait3A_248 = tpu.memref_slice %arg9[%rem3A_194] : memref<8x!tpu.dma_semaphore, #tpu.memory_space<semaphore_mem>> -> memref<1x!tpu.dma_semaphore, #tpu.memory_space<semaphore_mem>>
        %dma_wait3A_249 = tpu.memref_squeeze %dma_wait3A_248 : memref<1x!tpu.dma_semaphore, #tpu.memory_space<semaphore_mem>> -> memref<!tpu.dma_semaphore, #tpu.memory_space<semaphore_mem>>
        %dma_wait3A_250 = arith.constant 0 : i32
        %dma_wait3A_251 = arith.constant 0 : i32
        %dma_wait3A_252 = tpu.memref_slice %arg6[%rem3A_194, %dma_wait3A_250, %dma_wait3A_251] : memref<8x2x120xi32, #tpu.memory_space<vmem>> -> memref<1x2x120xi32, #tpu.memory_space<vmem>>
        %dma_wait3A_253 = tpu.memref_squeeze %dma_wait3A_252 : memref<1x2x120xi32, #tpu.memory_space<vmem>> -> memref<2x120xi32, #tpu.memory_space<vmem>>
        %dma_wait3A_254 = arith.constant 0 : i32
        %dma_wait3A_255 = arith.constant 0 : i32
        %dma_wait3A_256 = tpu.memref_slice %arg3[%dma_wait3A_254, %dma_wait3A_255] : memref<10688x120xi32, #tpu.memory_space<hbm>> -> memref<2x120xi32, #tpu.memory_space<hbm>>
        tpu.wait_dma2 semaphore(%dma_wait3A_249 : memref<!tpu.dma_semaphore, #tpu.memory_space<semaphore_mem>>) src(%dma_wait3A_256 : memref<2x120xi32, #tpu.memory_space<hbm>>) dst(%dma_wait3A_253 : memref<2x120xi32, #tpu.memory_space<vmem>>)
        %dma_start3A_257 = arith.constant 0 : i32
        %dma_start3A_258 = arith.constant 0 : i32
        %dma_start3A_259 = arith.constant 0 : i32
        %dma_start3A_260 = tpu.memref_slice %arg7[%rem3A_188, %dma_start3A_258, %dma_start3A_259] : memref<3x120x128xf32, #tpu.memory_space<vmem>> -> memref<1x120x128xf32, #tpu.memory_space<vmem>>
        %dma_start3A_261 = tpu.memref_squeeze %dma_start3A_260 : memref<1x120x128xf32, #tpu.memory_space<vmem>> -> memref<120x128xf32, #tpu.memory_space<vmem>>
        %dma_start3A_262 = arith.constant 0 : i32
        %dma_start3A_263 = tpu.memref_slice %arg6[%rem3A_194, %dma_start3A_257, %dma_start3A_262] : memref<8x2x120xi32, #tpu.memory_space<vmem>> -> memref<1x1x120xi32, #tpu.memory_space<vmem>>
        %dma_start3A_264 = tpu.memref_squeeze %dma_start3A_263 : memref<1x1x120xi32, #tpu.memory_space<vmem>> -> memref<120xi32, #tpu.memory_space<vmem>>
        %dma_start3A_265 = arith.constant 0 : i32
        %dma_start3A_266 = arith.constant 0 : i32
        %dma_start3A_267 = tpu.memref_slice %arg2[%dma_start3A_265, %dma_start3A_266] : memref<20000x128xf32, #tpu.memory_space<hbm>> -> memref<20000x128xf32, #tpu.memory_space<hbm>>
        %dma_start3A_268 = tpu.memref_slice %arg10[%rem3A_188] : memref<3x!tpu.dma_semaphore, #tpu.memory_space<semaphore_mem>> -> memref<1x!tpu.dma_semaphore, #tpu.memory_space<semaphore_mem>>
        %dma_start3A_269 = tpu.memref_squeeze %dma_start3A_268 : memref<1x!tpu.dma_semaphore, #tpu.memory_space<semaphore_mem>> -> memref<!tpu.dma_semaphore, #tpu.memory_space<semaphore_mem>>
        tpu.enqueue_indirect_dma source(%dma_start3A_267 : memref<20000x128xf32, #tpu.memory_space<hbm>>) target(%dma_start3A_261 : memref<120x128xf32, #tpu.memory_space<vmem>>) offsets(%dma_start3A_264 : memref<120xi32, #tpu.memory_space<vmem>>) semaphore(%dma_start3A_269 : memref<!tpu.dma_semaphore, #tpu.memory_space<semaphore_mem>>)
      } else {
      }
    }
    %scan3A_155 = arith.constant 167 : i32
    %dma_wait3A_156 = arith.constant 1 : i32
    %dma_wait3A_157 = arith.constant 0 : i32
    %dma_wait3A_158 = arith.constant 1 : i32
    %dma_wait3A_159 = arith.constant 1 : i32
    %dma_wait3A_160 = arith.constant 0 : i32
    %dma_wait3A_161 = arith.constant 0 : i32
    %dma_wait3A_162 = tpu.memref_slice %arg7[%dma_wait3A_156, %dma_wait3A_160, %dma_wait3A_161] : memref<3x120x128xf32, #tpu.memory_space<vmem>> -> memref<1x120x128xf32, #tpu.memory_space<vmem>>
    %dma_wait3A_163 = tpu.memref_squeeze %dma_wait3A_162 : memref<1x120x128xf32, #tpu.memory_space<vmem>> -> memref<120x128xf32, #tpu.memory_space<vmem>>
    %dma_wait3A_164 = arith.constant 0 : i32
    %dma_wait3A_165 = tpu.memref_slice %arg6[%dma_wait3A_157, %dma_wait3A_158, %dma_wait3A_164] : memref<8x2x120xi32, #tpu.memory_space<vmem>> -> memref<1x1x120xi32, #tpu.memory_space<vmem>>
    %dma_wait3A_166 = tpu.memref_squeeze %dma_wait3A_165 : memref<1x1x120xi32, #tpu.memory_space<vmem>> -> memref<120xi32, #tpu.memory_space<vmem>>
    %dma_wait3A_167 = arith.constant 0 : i32
    %dma_wait3A_168 = arith.constant 0 : i32
    %dma_wait3A_169 = tpu.memref_slice %arg8[%dma_wait3A_167, %dma_wait3A_168] : memref<10112x128xf32, #tpu.memory_space<vmem_shared>> -> memref<10112x128xf32, #tpu.memory_space<vmem_shared>>
    %dma_wait3A_170 = tpu.memref_slice %arg11[%dma_wait3A_159] : memref<3x!tpu.dma_semaphore, #tpu.memory_space<semaphore_mem>> -> memref<1x!tpu.dma_semaphore, #tpu.memory_space<semaphore_mem>>
    %dma_wait3A_171 = tpu.memref_squeeze %dma_wait3A_170 : memref<1x!tpu.dma_semaphore, #tpu.memory_space<semaphore_mem>> -> memref<!tpu.dma_semaphore, #tpu.memory_space<semaphore_mem>>
    tpu.wait_indirect_dma semaphore(%dma_wait3A_171 : memref<!tpu.dma_semaphore, #tpu.memory_space<semaphore_mem>>) src(%dma_wait3A_163 : memref<120x128xf32, #tpu.memory_space<vmem>>) dst(%dma_wait3A_169 : memref<10112x128xf32, #tpu.memory_space<vmem_shared>>)
    %barrier3A_172 = arith.constant 0 : index
    tpu.barrier barrier_id(%barrier3A_172)
    %mul3A_173 = arith.constant 632 : i32
    %mul3A_174 = arith.muli %arg1, %mul3A_173 : i32
    %mul3A_175 = arith.constant 10112 : i32
    %mul3A_176 = arith.muli %arg0, %mul3A_175 : i32
    %mul3A_177 = arith.constant 632 : i32
    %mul3A_178 = arith.muli %arg1, %mul3A_177 : i32
    %add3A_179 = arith.addi %mul3A_176, %mul3A_178 : i32
    "tpu.region"() ({
      %run_scoped3A = tpu.sem_alloc : memref<!tpu.dma_semaphore, #tpu.memory_space<semaphore_mem>>
      %dma_start3A_180 = arith.constant 0 : i32
      %dma_start3A_181 = tpu.memref_slice %arg5[%add3A_179, %dma_start3A_180] : memref<20224x128xf32, #tpu.memory_space<hbm>> -> memref<632x128xf32, #tpu.memory_space<hbm>>
      %dma_start3A_182 = arith.constant 0 : i32
      %dma_start3A_183 = tpu.memref_slice %arg8[%mul3A_174, %dma_start3A_182] : memref<10112x128xf32, #tpu.memory_space<vmem_shared>> -> memref<632x128xf32, #tpu.memory_space<vmem_shared>>
      tpu.enqueue_dma source(%dma_start3A_183 : memref<632x128xf32, #tpu.memory_space<vmem_shared>>) target(%dma_start3A_181 : memref<632x128xf32, #tpu.memory_space<hbm>>) target_semaphore(%run_scoped3A : memref<!tpu.dma_semaphore, #tpu.memory_space<semaphore_mem>>)
      %dma_wait3A_184 = arith.constant 0 : i32
      %dma_wait3A_185 = tpu.memref_slice %arg5[%add3A_179, %dma_wait3A_184] : memref<20224x128xf32, #tpu.memory_space<hbm>> -> memref<632x128xf32, #tpu.memory_space<hbm>>
      %dma_wait3A_186 = arith.constant 0 : i32
      %dma_wait3A_187 = tpu.memref_slice %arg8[%mul3A_174, %dma_wait3A_186] : memref<10112x128xf32, #tpu.memory_space<vmem_shared>> -> memref<632x128xf32, #tpu.memory_space<vmem_shared>>
      tpu.wait_dma2 semaphore(%run_scoped3A : memref<!tpu.dma_semaphore, #tpu.memory_space<semaphore_mem>>) src(%dma_wait3A_187 : memref<632x128xf32, #tpu.memory_space<vmem_shared>>) dst(%dma_wait3A_185 : memref<632x128xf32, #tpu.memory_space<hbm>>)
      tpu.yield
    }) : () -> ()
    return
  }
}

#map = affine_map<(d0, d1) -> (0, 0)>
module attributes {stable_mosaic.version = 14 : i64} {
  func.func @_sc_agg_body(%arg0: i32, %arg1: i32, %arg2: memref<20000x128xf32, #tpu.memory_space<hbm>>, %arg3: memref<10688x120xi32, #tpu.memory_space<hbm>>, %arg4: memref<632x128xf32, #tpu.memory_space<hbm>>, %arg5: memref<20224x128xf32, #tpu.memory_space<hbm>>, %arg6: memref<8x2x120xi32, #tpu.memory_space<vmem>>, %arg7: memref<3x120x128xf32, #tpu.memory_space<vmem>>, %arg8: memref<10112x128xf32, #tpu.memory_space<vmem_shared>>, %arg9: memref<8x!tpu.dma_semaphore, #tpu.memory_space<semaphore_mem>>, %arg10: memref<3x!tpu.dma_semaphore, #tpu.memory_space<semaphore_mem>>, %arg11: memref<3x!tpu.dma_semaphore, #tpu.memory_space<semaphore_mem>>) attributes {dimension_semantics = [#tpu.dimension_semantics<core_parallel>, #tpu.dimension_semantics<subcore_parallel>], iteration_bounds = array<i64: 2, 16>, scalar_prefetch = 0 : i64, scratch_operands = 6 : i64, tpu.core_type = #tpu.core_type<sc_vector_subcore>, window_params = [{transform_indices = #map}, {transform_indices = #map}, {transform_indices = #map}, {transform_indices = #map}]} {
    %mul3A = arith.constant 632 : i32
    %mul3A_0 = arith.muli %arg1, %mul3A : i32
    %dma_start3A = arith.constant 0 : i32
    %dma_start3A_1 = tpu.memref_slice %arg11[%dma_start3A] : memref<3x!tpu.dma_semaphore, #tpu.memory_space<semaphore_mem>> -> memref<1x!tpu.dma_semaphore, #tpu.memory_space<semaphore_mem>>
    %dma_start3A_2 = tpu.memref_squeeze %dma_start3A_1 : memref<1x!tpu.dma_semaphore, #tpu.memory_space<semaphore_mem>> -> memref<!tpu.dma_semaphore, #tpu.memory_space<semaphore_mem>>
    %dma_start3A_3 = arith.constant 0 : i32
    %dma_start3A_4 = tpu.memref_slice %arg8[%mul3A_0, %dma_start3A_3] : memref<10112x128xf32, #tpu.memory_space<vmem_shared>> -> memref<632x128xf32, #tpu.memory_space<vmem_shared>>
    tpu.enqueue_dma source(%arg4 : memref<632x128xf32, #tpu.memory_space<hbm>>) target(%dma_start3A_4 : memref<632x128xf32, #tpu.memory_space<vmem_shared>>) target_semaphore(%dma_start3A_2 : memref<!tpu.dma_semaphore, #tpu.memory_space<semaphore_mem>>)
    %mul3A_5 = arith.constant 5344 : i32
    %mul3A_6 = arith.muli %arg0, %mul3A_5 : i32
    %mul3A_7 = arith.constant 167 : i32
    %mul3A_8 = arith.muli %arg1, %mul3A_7 : i32
    %add3A = arith.constant 0 : i32
    %add3A_9 = arith.addi %mul3A_8, %add3A : i32
    %mul3A_10 = arith.constant 2 : i32
    %mul3A_11 = arith.muli %add3A_9, %mul3A_10 : i32
    %add3A_12 = arith.addi %mul3A_6, %mul3A_11 : i32
    %dma_start3A_13 = arith.constant 0 : i32
    %dma_start3A_14 = arith.constant 0 : i32
    %dma_start3A_15 = arith.constant 0 : i32
    %dma_start3A_16 = arith.constant 0 : i32
    %dma_start3A_17 = tpu.memref_slice %arg6[%dma_start3A_13, %dma_start3A_15, %dma_start3A_16] : memref<8x2x120xi32, #tpu.memory_space<vmem>> -> memref<1x2x120xi32, #tpu.memory_space<vmem>>
    %dma_start3A_18 = tpu.memref_squeeze %dma_start3A_17 : memref<1x2x120xi32, #tpu.memory_space<vmem>> -> memref<2x120xi32, #tpu.memory_space<vmem>>
    %dma_start3A_19 = arith.constant 0 : i32
    %dma_start3A_20 = tpu.memref_slice %arg3[%add3A_12, %dma_start3A_19] : memref<10688x120xi32, #tpu.memory_space<hbm>> -> memref<2x120xi32, #tpu.memory_space<hbm>>
    %dma_start3A_21 = tpu.memref_slice %arg9[%dma_start3A_14] : memref<8x!tpu.dma_semaphore, #tpu.memory_space<semaphore_mem>> -> memref<1x!tpu.dma_semaphore, #tpu.memory_space<semaphore_mem>>
    %dma_start3A_22 = tpu.memref_squeeze %dma_start3A_21 : memref<1x!tpu.dma_semaphore, #tpu.memory_space<semaphore_mem>> -> memref<!tpu.dma_semaphore, #tpu.memory_space<semaphore_mem>>
    %dma_start3A_23 = arith.constant 0 : i32
    %dma_start3A_24 = arith.constant 0 : i32
    %dma_start3A_25 = tpu.memref_slice %arg6[%dma_start3A_13, %dma_start3A_23, %dma_start3A_24] : memref<8x2x120xi32, #tpu.memory_space<vmem>> -> memref<1x2x120xi32, #tpu.memory_space<vmem>>
    %dma_start3A_26 = tpu.memref_squeeze %dma_start3A_25 : memref<1x2x120xi32, #tpu.memory_space<vmem>> -> memref<2x120xi32, #tpu.memory_space<vmem>>
    %dma_start3A_27 = arith.constant 0 : i32
    %dma_start3A_28 = tpu.memref_slice %arg3[%add3A_12, %dma_start3A_27] : memref<10688x120xi32, #tpu.memory_space<hbm>> -> memref<2x120xi32, #tpu.memory_space<hbm>>
    tpu.enqueue_dma source(%dma_start3A_28 : memref<2x120xi32, #tpu.memory_space<hbm>>) target(%dma_start3A_26 : memref<2x120xi32, #tpu.memory_space<vmem>>) target_semaphore(%dma_start3A_22 : memref<!tpu.dma_semaphore, #tpu.memory_space<semaphore_mem>>)
    %mul3A_29 = arith.constant 5344 : i32
    %mul3A_30 = arith.muli %arg0, %mul3A_29 : i32
    %mul3A_31 = arith.constant 167 : i32
    %mul3A_32 = arith.muli %arg1, %mul3A_31 : i32
    %add3A_33 = arith.constant 1 : i32
    %add3A_34 = arith.addi %mul3A_32, %add3A_33 : i32
    %mul3A_35 = arith.constant 2 : i32
    %mul3A_36 = arith.muli %add3A_34, %mul3A_35 : i32
    %add3A_37 = arith.addi %mul3A_30, %mul3A_36 : i32
    %dma_start3A_38 = arith.constant 1 : i32
    %dma_start3A_39 = arith.constant 1 : i32
    %dma_start3A_40 = arith.constant 0 : i32
    %dma_start3A_41 = arith.constant 0 : i32
    %dma_start3A_42 = tpu.memref_slice %arg6[%dma_start3A_38, %dma_start3A_40, %dma_start3A_41] : memref<8x2x120xi32, #tpu.memory_space<vmem>> -> memref<1x2x120xi32, #tpu.memory_space<vmem>>
    %dma_start3A_43 = tpu.memref_squeeze %dma_start3A_42 : memref<1x2x120xi32, #tpu.memory_space<vmem>> -> memref<2x120xi32, #tpu.memory_space<vmem>>
    %dma_start3A_44 = arith.constant 0 : i32
    %dma_start3A_45 = tpu.memref_slice %arg3[%add3A_37, %dma_start3A_44] : memref<10688x120xi32, #tpu.memory_space<hbm>> -> memref<2x120xi32, #tpu.memory_space<hbm>>
    %dma_start3A_46 = tpu.memref_slice %arg9[%dma_start3A_39] : memref<8x!tpu.dma_semaphore, #tpu.memory_space<semaphore_mem>> -> memref<1x!tpu.dma_semaphore, #tpu.memory_space<semaphore_mem>>
    %dma_start3A_47 = tpu.memref_squeeze %dma_start3A_46 : memref<1x!tpu.dma_semaphore, #tpu.memory_space<semaphore_mem>> -> memref<!tpu.dma_semaphore, #tpu.memory_space<semaphore_mem>>
    %dma_start3A_48 = arith.constant 0 : i32
    %dma_start3A_49 = arith.constant 0 : i32
    %dma_start3A_50 = tpu.memref_slice %arg6[%dma_start3A_38, %dma_start3A_48, %dma_start3A_49] : memref<8x2x120xi32, #tpu.memory_space<vmem>> -> memref<1x2x120xi32, #tpu.memory_space<vmem>>
    %dma_start3A_51 = tpu.memref_squeeze %dma_start3A_50 : memref<1x2x120xi32, #tpu.memory_space<vmem>> -> memref<2x120xi32, #tpu.memory_space<vmem>>
    %dma_start3A_52 = arith.constant 0 : i32
    %dma_start3A_53 = tpu.memref_slice %arg3[%add3A_37, %dma_start3A_52] : memref<10688x120xi32, #tpu.memory_space<hbm>> -> memref<2x120xi32, #tpu.memory_space<hbm>>
    tpu.enqueue_dma source(%dma_start3A_53 : memref<2x120xi32, #tpu.memory_space<hbm>>) target(%dma_start3A_51 : memref<2x120xi32, #tpu.memory_space<vmem>>) target_semaphore(%dma_start3A_47 : memref<!tpu.dma_semaphore, #tpu.memory_space<semaphore_mem>>)
    %mul3A_54 = arith.constant 5344 : i32
    %mul3A_55 = arith.muli %arg0, %mul3A_54 : i32
    %mul3A_56 = arith.constant 167 : i32
    %mul3A_57 = arith.muli %arg1, %mul3A_56 : i32
    %add3A_58 = arith.constant 2 : i32
    %add3A_59 = arith.addi %mul3A_57, %add3A_58 : i32
    %mul3A_60 = arith.constant 2 : i32
    %mul3A_61 = arith.muli %add3A_59, %mul3A_60 : i32
    %add3A_62 = arith.addi %mul3A_55, %mul3A_61 : i32
    %dma_start3A_63 = arith.constant 2 : i32
    %dma_start3A_64 = arith.constant 2 : i32
    %dma_start3A_65 = arith.constant 0 : i32
    %dma_start3A_66 = arith.constant 0 : i32
    %dma_start3A_67 = tpu.memref_slice %arg6[%dma_start3A_63, %dma_start3A_65, %dma_start3A_66] : memref<8x2x120xi32, #tpu.memory_space<vmem>> -> memref<1x2x120xi32, #tpu.memory_space<vmem>>
    %dma_start3A_68 = tpu.memref_squeeze %dma_start3A_67 : memref<1x2x120xi32, #tpu.memory_space<vmem>> -> memref<2x120xi32, #tpu.memory_space<vmem>>
    %dma_start3A_69 = arith.constant 0 : i32
    %dma_start3A_70 = tpu.memref_slice %arg3[%add3A_62, %dma_start3A_69] : memref<10688x120xi32, #tpu.memory_space<hbm>> -> memref<2x120xi32, #tpu.memory_space<hbm>>
    %dma_start3A_71 = tpu.memref_slice %arg9[%dma_start3A_64] : memref<8x!tpu.dma_semaphore, #tpu.memory_space<semaphore_mem>> -> memref<1x!tpu.dma_semaphore, #tpu.memory_space<semaphore_mem>>
    %dma_start3A_72 = tpu.memref_squeeze %dma_start3A_71 : memref<1x!tpu.dma_semaphore, #tpu.memory_space<semaphore_mem>> -> memref<!tpu.dma_semaphore, #tpu.memory_space<semaphore_mem>>
    %dma_start3A_73 = arith.constant 0 : i32
    %dma_start3A_74 = arith.constant 0 : i32
    %dma_start3A_75 = tpu.memref_slice %arg6[%dma_start3A_63, %dma_start3A_73, %dma_start3A_74] : memref<8x2x120xi32, #tpu.memory_space<vmem>> -> memref<1x2x120xi32, #tpu.memory_space<vmem>>
    %dma_start3A_76 = tpu.memref_squeeze %dma_start3A_75 : memref<1x2x120xi32, #tpu.memory_space<vmem>> -> memref<2x120xi32, #tpu.memory_space<vmem>>
    %dma_start3A_77 = arith.constant 0 : i32
    %dma_start3A_78 = tpu.memref_slice %arg3[%add3A_62, %dma_start3A_77] : memref<10688x120xi32, #tpu.memory_space<hbm>> -> memref<2x120xi32, #tpu.memory_space<hbm>>
    tpu.enqueue_dma source(%dma_start3A_78 : memref<2x120xi32, #tpu.memory_space<hbm>>) target(%dma_start3A_76 : memref<2x120xi32, #tpu.memory_space<vmem>>) target_semaphore(%dma_start3A_72 : memref<!tpu.dma_semaphore, #tpu.memory_space<semaphore_mem>>)
    %dma_wait3A = arith.constant 0 : i32
    %dma_wait3A_79 = arith.constant 0 : i32
    %dma_wait3A_80 = arith.constant 0 : i32
    %dma_wait3A_81 = arith.constant 0 : i32
    %dma_wait3A_82 = tpu.memref_slice %arg6[%dma_wait3A, %dma_wait3A_80, %dma_wait3A_81] : memref<8x2x120xi32, #tpu.memory_space<vmem>> -> memref<1x2x120xi32, #tpu.memory_space<vmem>>
    %dma_wait3A_83 = tpu.memref_squeeze %dma_wait3A_82 : memref<1x2x120xi32, #tpu.memory_space<vmem>> -> memref<2x120xi32, #tpu.memory_space<vmem>>
    %dma_wait3A_84 = arith.constant 0 : i32
    %dma_wait3A_85 = arith.constant 0 : i32
    %dma_wait3A_86 = tpu.memref_slice %arg3[%dma_wait3A_84, %dma_wait3A_85] : memref<10688x120xi32, #tpu.memory_space<hbm>> -> memref<2x120xi32, #tpu.memory_space<hbm>>
    %dma_wait3A_87 = tpu.memref_slice %arg9[%dma_wait3A_79] : memref<8x!tpu.dma_semaphore, #tpu.memory_space<semaphore_mem>> -> memref<1x!tpu.dma_semaphore, #tpu.memory_space<semaphore_mem>>
    %dma_wait3A_88 = tpu.memref_squeeze %dma_wait3A_87 : memref<1x!tpu.dma_semaphore, #tpu.memory_space<semaphore_mem>> -> memref<!tpu.dma_semaphore, #tpu.memory_space<semaphore_mem>>
    %dma_wait3A_89 = arith.constant 0 : i32
    %dma_wait3A_90 = arith.constant 0 : i32
    %dma_wait3A_91 = tpu.memref_slice %arg6[%dma_wait3A, %dma_wait3A_89, %dma_wait3A_90] : memref<8x2x120xi32, #tpu.memory_space<vmem>> -> memref<1x2x120xi32, #tpu.memory_space<vmem>>
    %dma_wait3A_92 = tpu.memref_squeeze %dma_wait3A_91 : memref<1x2x120xi32, #tpu.memory_space<vmem>> -> memref<2x120xi32, #tpu.memory_space<vmem>>
    %dma_wait3A_93 = arith.constant 0 : i32
    %dma_wait3A_94 = arith.constant 0 : i32
    %dma_wait3A_95 = tpu.memref_slice %arg3[%dma_wait3A_93, %dma_wait3A_94] : memref<10688x120xi32, #tpu.memory_space<hbm>> -> memref<2x120xi32, #tpu.memory_space<hbm>>
    tpu.wait_dma2 semaphore(%dma_wait3A_88 : memref<!tpu.dma_semaphore, #tpu.memory_space<semaphore_mem>>) src(%dma_wait3A_95 : memref<2x120xi32, #tpu.memory_space<hbm>>) dst(%dma_wait3A_92 : memref<2x120xi32, #tpu.memory_space<vmem>>)
    %dma_start3A_96 = arith.constant 0 : i32
    %dma_start3A_97 = arith.constant 0 : i32
    %dma_start3A_98 = arith.constant 0 : i32
    %dma_start3A_99 = arith.constant 0 : i32
    %dma_start3A_100 = arith.constant 0 : i32
    %dma_start3A_101 = arith.constant 0 : i32
    %dma_start3A_102 = tpu.memref_slice %arg7[%dma_start3A_98, %dma_start3A_100, %dma_start3A_101] : memref<3x120x128xf32, #tpu.memory_space<vmem>> -> memref<1x120x128xf32, #tpu.memory_space<vmem>>
    %dma_start3A_103 = tpu.memref_squeeze %dma_start3A_102 : memref<1x120x128xf32, #tpu.memory_space<vmem>> -> memref<120x128xf32, #tpu.memory_space<vmem>>
    %dma_start3A_104 = arith.constant 0 : i32
    %dma_start3A_105 = tpu.memref_slice %arg6[%dma_start3A_96, %dma_start3A_97, %dma_start3A_104] : memref<8x2x120xi32, #tpu.memory_space<vmem>> -> memref<1x1x120xi32, #tpu.memory_space<vmem>>
    %dma_start3A_106 = tpu.memref_squeeze %dma_start3A_105 : memref<1x1x120xi32, #tpu.memory_space<vmem>> -> memref<120xi32, #tpu.memory_space<vmem>>
    %dma_start3A_107 = arith.constant 0 : i32
    %dma_start3A_108 = arith.constant 0 : i32
    %dma_start3A_109 = tpu.memref_slice %arg2[%dma_start3A_107, %dma_start3A_108] : memref<20000x128xf32, #tpu.memory_space<hbm>> -> memref<20000x128xf32, #tpu.memory_space<hbm>>
    %dma_start3A_110 = tpu.memref_slice %arg10[%dma_start3A_99] : memref<3x!tpu.dma_semaphore, #tpu.memory_space<semaphore_mem>> -> memref<1x!tpu.dma_semaphore, #tpu.memory_space<semaphore_mem>>
    %dma_start3A_111 = tpu.memref_squeeze %dma_start3A_110 : memref<1x!tpu.dma_semaphore, #tpu.memory_space<semaphore_mem>> -> memref<!tpu.dma_semaphore, #tpu.memory_space<semaphore_mem>>
    tpu.enqueue_indirect_dma source(%dma_start3A_109 : memref<20000x128xf32, #tpu.memory_space<hbm>>) target(%dma_start3A_103 : memref<120x128xf32, #tpu.memory_space<vmem>>) offsets(%dma_start3A_106 : memref<120xi32, #tpu.memory_space<vmem>>) semaphore(%dma_start3A_111 : memref<!tpu.dma_semaphore, #tpu.memory_space<semaphore_mem>>)
    %dma_wait3A_112 = arith.constant 1 : i32
    %dma_wait3A_113 = arith.constant 1 : i32
    %dma_wait3A_114 = arith.constant 0 : i32
    %dma_wait3A_115 = arith.constant 0 : i32
    %dma_wait3A_116 = tpu.memref_slice %arg6[%dma_wait3A_112, %dma_wait3A_114, %dma_wait3A_115] : memref<8x2x120xi32, #tpu.memory_space<vmem>> -> memref<1x2x120xi32, #tpu.memory_space<vmem>>
    %dma_wait3A_117 = tpu.memref_squeeze %dma_wait3A_116 : memref<1x2x120xi32, #tpu.memory_space<vmem>> -> memref<2x120xi32, #tpu.memory_space<vmem>>
    %dma_wait3A_118 = arith.constant 0 : i32
    %dma_wait3A_119 = arith.constant 0 : i32
    %dma_wait3A_120 = tpu.memref_slice %arg3[%dma_wait3A_118, %dma_wait3A_119] : memref<10688x120xi32, #tpu.memory_space<hbm>> -> memref<2x120xi32, #tpu.memory_space<hbm>>
    %dma_wait3A_121 = tpu.memref_slice %arg9[%dma_wait3A_113] : memref<8x!tpu.dma_semaphore, #tpu.memory_space<semaphore_mem>> -> memref<1x!tpu.dma_semaphore, #tpu.memory_space<semaphore_mem>>
    %dma_wait3A_122 = tpu.memref_squeeze %dma_wait3A_121 : memref<1x!tpu.dma_semaphore, #tpu.memory_space<semaphore_mem>> -> memref<!tpu.dma_semaphore, #tpu.memory_space<semaphore_mem>>
    %dma_wait3A_123 = arith.constant 0 : i32
    %dma_wait3A_124 = arith.constant 0 : i32
    %dma_wait3A_125 = tpu.memref_slice %arg6[%dma_wait3A_112, %dma_wait3A_123, %dma_wait3A_124] : memref<8x2x120xi32, #tpu.memory_space<vmem>> -> memref<1x2x120xi32, #tpu.memory_space<vmem>>
    %dma_wait3A_126 = tpu.memref_squeeze %dma_wait3A_125 : memref<1x2x120xi32, #tpu.memory_space<vmem>> -> memref<2x120xi32, #tpu.memory_space<vmem>>
    %dma_wait3A_127 = arith.constant 0 : i32
    %dma_wait3A_128 = arith.constant 0 : i32
    %dma_wait3A_129 = tpu.memref_slice %arg3[%dma_wait3A_127, %dma_wait3A_128] : memref<10688x120xi32, #tpu.memory_space<hbm>> -> memref<2x120xi32, #tpu.memory_space<hbm>>
    tpu.wait_dma2 semaphore(%dma_wait3A_122 : memref<!tpu.dma_semaphore, #tpu.memory_space<semaphore_mem>>) src(%dma_wait3A_129 : memref<2x120xi32, #tpu.memory_space<hbm>>) dst(%dma_wait3A_126 : memref<2x120xi32, #tpu.memory_space<vmem>>)
    %dma_start3A_130 = arith.constant 1 : i32
    %dma_start3A_131 = arith.constant 0 : i32
    %dma_start3A_132 = arith.constant 1 : i32
    %dma_start3A_133 = arith.constant 1 : i32
    %dma_start3A_134 = arith.constant 0 : i32
    %dma_start3A_135 = arith.constant 0 : i32
    %dma_start3A_136 = tpu.memref_slice %arg7[%dma_start3A_132, %dma_start3A_134, %dma_start3A_135] : memref<3x120x128xf32, #tpu.memory_space<vmem>> -> memref<1x120x128xf32, #tpu.memory_space<vmem>>
    %dma_start3A_137 = tpu.memref_squeeze %dma_start3A_136 : memref<1x120x128xf32, #tpu.memory_space<vmem>> -> memref<120x128xf32, #tpu.memory_space<vmem>>
    %dma_start3A_138 = arith.constant 0 : i32
    %dma_start3A_139 = tpu.memref_slice %arg6[%dma_start3A_130, %dma_start3A_131, %dma_start3A_138] : memref<8x2x120xi32, #tpu.memory_space<vmem>> -> memref<1x1x120xi32, #tpu.memory_space<vmem>>
    %dma_start3A_140 = tpu.memref_squeeze %dma_start3A_139 : memref<1x1x120xi32, #tpu.memory_space<vmem>> -> memref<120xi32, #tpu.memory_space<vmem>>
    %dma_start3A_141 = arith.constant 0 : i32
    %dma_start3A_142 = arith.constant 0 : i32
    %dma_start3A_143 = tpu.memref_slice %arg2[%dma_start3A_141, %dma_start3A_142] : memref<20000x128xf32, #tpu.memory_space<hbm>> -> memref<20000x128xf32, #tpu.memory_space<hbm>>
    %dma_start3A_144 = tpu.memref_slice %arg10[%dma_start3A_133] : memref<3x!tpu.dma_semaphore, #tpu.memory_space<semaphore_mem>> -> memref<1x!tpu.dma_semaphore, #tpu.memory_space<semaphore_mem>>
    %dma_start3A_145 = tpu.memref_squeeze %dma_start3A_144 : memref<1x!tpu.dma_semaphore, #tpu.memory_space<semaphore_mem>> -> memref<!tpu.dma_semaphore, #tpu.memory_space<semaphore_mem>>
    tpu.enqueue_indirect_dma source(%dma_start3A_143 : memref<20000x128xf32, #tpu.memory_space<hbm>>) target(%dma_start3A_137 : memref<120x128xf32, #tpu.memory_space<vmem>>) offsets(%dma_start3A_140 : memref<120xi32, #tpu.memory_space<vmem>>) semaphore(%dma_start3A_145 : memref<!tpu.dma_semaphore, #tpu.memory_space<semaphore_mem>>)
    %dma_wait3A_146 = arith.constant 0 : i32
    %dma_wait3A_147 = tpu.memref_slice %arg11[%dma_wait3A_146] : memref<3x!tpu.dma_semaphore, #tpu.memory_space<semaphore_mem>> -> memref<1x!tpu.dma_semaphore, #tpu.memory_space<semaphore_mem>>
    %dma_wait3A_148 = tpu.memref_squeeze %dma_wait3A_147 : memref<1x!tpu.dma_semaphore, #tpu.memory_space<semaphore_mem>> -> memref<!tpu.dma_semaphore, #tpu.memory_space<semaphore_mem>>
    %dma_wait3A_149 = arith.constant 0 : i32
    %dma_wait3A_150 = tpu.memref_slice %arg8[%mul3A_0, %dma_wait3A_149] : memref<10112x128xf32, #tpu.memory_space<vmem_shared>> -> memref<632x128xf32, #tpu.memory_space<vmem_shared>>
    tpu.wait_dma2 semaphore(%dma_wait3A_148 : memref<!tpu.dma_semaphore, #tpu.memory_space<semaphore_mem>>) src(%arg4 : memref<632x128xf32, #tpu.memory_space<hbm>>) dst(%dma_wait3A_150 : memref<632x128xf32, #tpu.memory_space<vmem_shared>>)
    %barrier3A = arith.constant 0 : index
    tpu.barrier barrier_id(%barrier3A)
    %scan3A = arith.constant 0 : i32
    %scan3A_151 = arith.constant 0 : i32
    %scan3A_152 = arith.constant 167 : i32
    %scan3A_153 = arith.addi %scan3A_151, %scan3A_152 : i32
    %scan3A_154 = arith.constant 1 : i32
    scf.for %scan3A_180 = %scan3A_151 to %scan3A_153 step %scan3A_154  : i32 {
      %rem3A = arith.constant 3 : i32
      %rem3A_181 = arith.remsi %scan3A_180, %rem3A : i32
      %sub3A = arith.constant 1 : i32
      %sub3A_182 = arith.subi %scan3A_180, %sub3A : i32
      %rem3A_183 = arith.constant 3 : i32
      %rem3A_184 = arith.remsi %sub3A_182, %rem3A_183 : i32
      %add3A_185 = arith.constant 2 : i32
      %add3A_186 = arith.addi %scan3A_180, %add3A_185 : i32
      %rem3A_187 = arith.constant 3 : i32
      %rem3A_188 = arith.remsi %add3A_186, %rem3A_187 : i32
      %rem3A_189 = arith.constant 8 : i32
      %rem3A_190 = arith.remsi %scan3A_180, %rem3A_189 : i32
      %add3A_191 = arith.constant 2 : i32
      %add3A_192 = arith.addi %scan3A_180, %add3A_191 : i32
      %rem3A_193 = arith.constant 8 : i32
      %rem3A_194 = arith.remsi %add3A_192, %rem3A_193 : i32
      %add3A_195 = arith.constant 3 : i32
      %add3A_196 = arith.addi %scan3A_180, %add3A_195 : i32
      %rem3A_197 = arith.constant 8 : i32
      %rem3A_198 = arith.remsi %add3A_196, %rem3A_197 : i32
      %dma_wait3A_199 = arith.constant 0 : i32
      %dma_wait3A_200 = arith.constant 0 : i32
      %dma_wait3A_201 = arith.constant 0 : i32
      %dma_wait3A_202 = arith.constant 0 : i32
      %dma_wait3A_203 = tpu.memref_slice %arg7[%rem3A_181, %dma_wait3A_201, %dma_wait3A_202] : memref<3x120x128xf32, #tpu.memory_space<vmem>> -> memref<1x120x128xf32, #tpu.memory_space<vmem>>
      %dma_wait3A_204 = tpu.memref_squeeze %dma_wait3A_203 : memref<1x120x128xf32, #tpu.memory_space<vmem>> -> memref<120x128xf32, #tpu.memory_space<vmem>>
      %dma_wait3A_205 = arith.constant 0 : i32
      %dma_wait3A_206 = tpu.memref_slice %arg6[%dma_wait3A_199, %dma_wait3A_200, %dma_wait3A_205] : memref<8x2x120xi32, #tpu.memory_space<vmem>> -> memref<1x1x120xi32, #tpu.memory_space<vmem>>
      %dma_wait3A_207 = tpu.memref_squeeze %dma_wait3A_206 : memref<1x1x120xi32, #tpu.memory_space<vmem>> -> memref<120xi32, #tpu.memory_space<vmem>>
      %dma_wait3A_208 = arith.constant 0 : i32
      %dma_wait3A_209 = arith.constant 0 : i32
      %dma_wait3A_210 = tpu.memref_slice %arg2[%dma_wait3A_208, %dma_wait3A_209] : memref<20000x128xf32, #tpu.memory_space<hbm>> -> memref<20000x128xf32, #tpu.memory_space<hbm>>
      %dma_wait3A_211 = tpu.memref_slice %arg10[%rem3A_181] : memref<3x!tpu.dma_semaphore, #tpu.memory_space<semaphore_mem>> -> memref<1x!tpu.dma_semaphore, #tpu.memory_space<semaphore_mem>>
      %dma_wait3A_212 = tpu.memref_squeeze %dma_wait3A_211 : memref<1x!tpu.dma_semaphore, #tpu.memory_space<semaphore_mem>> -> memref<!tpu.dma_semaphore, #tpu.memory_space<semaphore_mem>>
      tpu.wait_indirect_dma semaphore(%dma_wait3A_212 : memref<!tpu.dma_semaphore, #tpu.memory_space<semaphore_mem>>) src(%dma_wait3A_210 : memref<20000x128xf32, #tpu.memory_space<hbm>>) dst(%dma_wait3A_204 : memref<120x128xf32, #tpu.memory_space<vmem>>)
      %dma_start3A_213 = arith.constant 1 : i32
      %dma_start3A_214 = arith.constant 0 : i32
      %dma_start3A_215 = arith.constant 0 : i32
      %dma_start3A_216 = tpu.memref_slice %arg7[%rem3A_181, %dma_start3A_214, %dma_start3A_215] : memref<3x120x128xf32, #tpu.memory_space<vmem>> -> memref<1x120x128xf32, #tpu.memory_space<vmem>>
      %dma_start3A_217 = tpu.memref_squeeze %dma_start3A_216 : memref<1x120x128xf32, #tpu.memory_space<vmem>> -> memref<120x128xf32, #tpu.memory_space<vmem>>
      %dma_start3A_218 = arith.constant 0 : i32
      %dma_start3A_219 = tpu.memref_slice %arg6[%rem3A_190, %dma_start3A_213, %dma_start3A_218] : memref<8x2x120xi32, #tpu.memory_space<vmem>> -> memref<1x1x120xi32, #tpu.memory_space<vmem>>
      %dma_start3A_220 = tpu.memref_squeeze %dma_start3A_219 : memref<1x1x120xi32, #tpu.memory_space<vmem>> -> memref<120xi32, #tpu.memory_space<vmem>>
      %dma_start3A_221 = arith.constant 0 : i32
      %dma_start3A_222 = arith.constant 0 : i32
      %dma_start3A_223 = tpu.memref_slice %arg8[%dma_start3A_221, %dma_start3A_222] : memref<10112x128xf32, #tpu.memory_space<vmem_shared>> -> memref<10112x128xf32, #tpu.memory_space<vmem_shared>>
      %dma_start3A_224 = tpu.memref_slice %arg11[%rem3A_181] : memref<3x!tpu.dma_semaphore, #tpu.memory_space<semaphore_mem>> -> memref<1x!tpu.dma_semaphore, #tpu.memory_space<semaphore_mem>>
      %dma_start3A_225 = tpu.memref_squeeze %dma_start3A_224 : memref<1x!tpu.dma_semaphore, #tpu.memory_space<semaphore_mem>> -> memref<!tpu.dma_semaphore, #tpu.memory_space<semaphore_mem>>
      tpu.enqueue_indirect_dma source(%dma_start3A_217 : memref<120x128xf32, #tpu.memory_space<vmem>>) target(%dma_start3A_223 : memref<10112x128xf32, #tpu.memory_space<vmem_shared>>) offsets(%dma_start3A_220 : memref<120xi32, #tpu.memory_space<vmem>>) semaphore(%dma_start3A_225 : memref<!tpu.dma_semaphore, #tpu.memory_space<semaphore_mem>>) {add = true}
      %ge3A = arith.constant 1 : i32
      %ge3A_226 = arith.cmpi sge, %scan3A_180, %ge3A : i32
      %convert_element_type3A = arith.extui %ge3A_226 : i1 to i32
      %cond3A = arith.constant 0 : i32
      %cond3A_227 = arith.cmpi ne, %convert_element_type3A, %cond3A : i32
      scf.if %cond3A_227 {
        %dma_wait3A_241 = arith.constant 0 : i32
        %dma_wait3A_242 = arith.constant 1 : i32
        %dma_wait3A_243 = arith.constant 0 : i32
        %dma_wait3A_244 = arith.constant 0 : i32
        %dma_wait3A_245 = tpu.memref_slice %arg7[%rem3A_184, %dma_wait3A_243, %dma_wait3A_244] : memref<3x120x128xf32, #tpu.memory_space<vmem>> -> memref<1x120x128xf32, #tpu.memory_space<vmem>>
        %dma_wait3A_246 = tpu.memref_squeeze %dma_wait3A_245 : memref<1x120x128xf32, #tpu.memory_space<vmem>> -> memref<120x128xf32, #tpu.memory_space<vmem>>
        %dma_wait3A_247 = arith.constant 0 : i32
        %dma_wait3A_248 = tpu.memref_slice %arg6[%dma_wait3A_241, %dma_wait3A_242, %dma_wait3A_247] : memref<8x2x120xi32, #tpu.memory_space<vmem>> -> memref<1x1x120xi32, #tpu.memory_space<vmem>>
        %dma_wait3A_249 = tpu.memref_squeeze %dma_wait3A_248 : memref<1x1x120xi32, #tpu.memory_space<vmem>> -> memref<120xi32, #tpu.memory_space<vmem>>
        %dma_wait3A_250 = arith.constant 0 : i32
        %dma_wait3A_251 = arith.constant 0 : i32
        %dma_wait3A_252 = tpu.memref_slice %arg8[%dma_wait3A_250, %dma_wait3A_251] : memref<10112x128xf32, #tpu.memory_space<vmem_shared>> -> memref<10112x128xf32, #tpu.memory_space<vmem_shared>>
        %dma_wait3A_253 = tpu.memref_slice %arg11[%rem3A_184] : memref<3x!tpu.dma_semaphore, #tpu.memory_space<semaphore_mem>> -> memref<1x!tpu.dma_semaphore, #tpu.memory_space<semaphore_mem>>
        %dma_wait3A_254 = tpu.memref_squeeze %dma_wait3A_253 : memref<1x!tpu.dma_semaphore, #tpu.memory_space<semaphore_mem>> -> memref<!tpu.dma_semaphore, #tpu.memory_space<semaphore_mem>>
        tpu.wait_indirect_dma semaphore(%dma_wait3A_254 : memref<!tpu.dma_semaphore, #tpu.memory_space<semaphore_mem>>) src(%dma_wait3A_246 : memref<120x128xf32, #tpu.memory_space<vmem>>) dst(%dma_wait3A_252 : memref<10112x128xf32, #tpu.memory_space<vmem_shared>>)
      } else {
      }
      %add3A_228 = arith.constant 3 : i32
      %add3A_229 = arith.addi %scan3A_180, %add3A_228 : i32
      %lt3A = arith.constant 167 : i32
      %lt3A_230 = arith.cmpi slt, %add3A_229, %lt3A : i32
      %convert_element_type3A_231 = arith.extui %lt3A_230 : i1 to i32
      %cond3A_232 = arith.constant 0 : i32
      %cond3A_233 = arith.cmpi ne, %convert_element_type3A_231, %cond3A_232 : i32
      scf.if %cond3A_233 {
        %add3A_241 = arith.constant 3 : i32
        %add3A_242 = arith.addi %scan3A_180, %add3A_241 : i32
        %mul3A_243 = arith.constant 5344 : i32
        %mul3A_244 = arith.muli %arg0, %mul3A_243 : i32
        %mul3A_245 = arith.constant 167 : i32
        %mul3A_246 = arith.muli %arg1, %mul3A_245 : i32
        %add3A_247 = arith.addi %mul3A_246, %add3A_242 : i32
        %mul3A_248 = arith.constant 2 : i32
        %mul3A_249 = arith.muli %add3A_247, %mul3A_248 : i32
        %add3A_250 = arith.addi %mul3A_244, %mul3A_249 : i32
        %dma_start3A_251 = arith.constant 0 : i32
        %dma_start3A_252 = arith.constant 0 : i32
        %dma_start3A_253 = tpu.memref_slice %arg6[%rem3A_198, %dma_start3A_251, %dma_start3A_252] : memref<8x2x120xi32, #tpu.memory_space<vmem>> -> memref<1x2x120xi32, #tpu.memory_space<vmem>>
        %dma_start3A_254 = tpu.memref_squeeze %dma_start3A_253 : memref<1x2x120xi32, #tpu.memory_space<vmem>> -> memref<2x120xi32, #tpu.memory_space<vmem>>
        %dma_start3A_255 = arith.constant 0 : i32
        %dma_start3A_256 = tpu.memref_slice %arg3[%add3A_250, %dma_start3A_255] : memref<10688x120xi32, #tpu.memory_space<hbm>> -> memref<2x120xi32, #tpu.memory_space<hbm>>
        %dma_start3A_257 = tpu.memref_slice %arg9[%rem3A_198] : memref<8x!tpu.dma_semaphore, #tpu.memory_space<semaphore_mem>> -> memref<1x!tpu.dma_semaphore, #tpu.memory_space<semaphore_mem>>
        %dma_start3A_258 = tpu.memref_squeeze %dma_start3A_257 : memref<1x!tpu.dma_semaphore, #tpu.memory_space<semaphore_mem>> -> memref<!tpu.dma_semaphore, #tpu.memory_space<semaphore_mem>>
        %dma_start3A_259 = arith.constant 0 : i32
        %dma_start3A_260 = arith.constant 0 : i32
        %dma_start3A_261 = tpu.memref_slice %arg6[%rem3A_198, %dma_start3A_259, %dma_start3A_260] : memref<8x2x120xi32, #tpu.memory_space<vmem>> -> memref<1x2x120xi32, #tpu.memory_space<vmem>>
        %dma_start3A_262 = tpu.memref_squeeze %dma_start3A_261 : memref<1x2x120xi32, #tpu.memory_space<vmem>> -> memref<2x120xi32, #tpu.memory_space<vmem>>
        %dma_start3A_263 = arith.constant 0 : i32
        %dma_start3A_264 = tpu.memref_slice %arg3[%add3A_250, %dma_start3A_263] : memref<10688x120xi32, #tpu.memory_space<hbm>> -> memref<2x120xi32, #tpu.memory_space<hbm>>
        tpu.enqueue_dma source(%dma_start3A_264 : memref<2x120xi32, #tpu.memory_space<hbm>>) target(%dma_start3A_262 : memref<2x120xi32, #tpu.memory_space<vmem>>) target_semaphore(%dma_start3A_258 : memref<!tpu.dma_semaphore, #tpu.memory_space<semaphore_mem>>)
      } else {
      }
      %add3A_234 = arith.constant 2 : i32
      %add3A_235 = arith.addi %scan3A_180, %add3A_234 : i32
      %lt3A_236 = arith.constant 167 : i32
      %lt3A_237 = arith.cmpi slt, %add3A_235, %lt3A_236 : i32
      %convert_element_type3A_238 = arith.extui %lt3A_237 : i1 to i32
      %cond3A_239 = arith.constant 0 : i32
      %cond3A_240 = arith.cmpi ne, %convert_element_type3A_238, %cond3A_239 : i32
      scf.if %cond3A_240 {
        %dma_wait3A_241 = arith.constant 0 : i32
        %dma_wait3A_242 = arith.constant 0 : i32
        %dma_wait3A_243 = tpu.memref_slice %arg6[%rem3A_194, %dma_wait3A_241, %dma_wait3A_242] : memref<8x2x120xi32, #tpu.memory_space<vmem>> -> memref<1x2x120xi32, #tpu.memory_space<vmem>>
        %dma_wait3A_244 = tpu.memref_squeeze %dma_wait3A_243 : memref<1x2x120xi32, #tpu.memory_space<vmem>> -> memref<2x120xi32, #tpu.memory_space<vmem>>
        %dma_wait3A_245 = arith.constant 0 : i32
        %dma_wait3A_246 = arith.constant 0 : i32
        %dma_wait3A_247 = tpu.memref_slice %arg3[%dma_wait3A_245, %dma_wait3A_246] : memref<10688x120xi32, #tpu.memory_space<hbm>> -> memref<2x120xi32, #tpu.memory_space<hbm>>
        %dma_wait3A_248 = tpu.memref_slice %arg9[%rem3A_194] : memref<8x!tpu.dma_semaphore, #tpu.memory_space<semaphore_mem>> -> memref<1x!tpu.dma_semaphore, #tpu.memory_space<semaphore_mem>>
        %dma_wait3A_249 = tpu.memref_squeeze %dma_wait3A_248 : memref<1x!tpu.dma_semaphore, #tpu.memory_space<semaphore_mem>> -> memref<!tpu.dma_semaphore, #tpu.memory_space<semaphore_mem>>
        %dma_wait3A_250 = arith.constant 0 : i32
        %dma_wait3A_251 = arith.constant 0 : i32
        %dma_wait3A_252 = tpu.memref_slice %arg6[%rem3A_194, %dma_wait3A_250, %dma_wait3A_251] : memref<8x2x120xi32, #tpu.memory_space<vmem>> -> memref<1x2x120xi32, #tpu.memory_space<vmem>>
        %dma_wait3A_253 = tpu.memref_squeeze %dma_wait3A_252 : memref<1x2x120xi32, #tpu.memory_space<vmem>> -> memref<2x120xi32, #tpu.memory_space<vmem>>
        %dma_wait3A_254 = arith.constant 0 : i32
        %dma_wait3A_255 = arith.constant 0 : i32
        %dma_wait3A_256 = tpu.memref_slice %arg3[%dma_wait3A_254, %dma_wait3A_255] : memref<10688x120xi32, #tpu.memory_space<hbm>> -> memref<2x120xi32, #tpu.memory_space<hbm>>
        tpu.wait_dma2 semaphore(%dma_wait3A_249 : memref<!tpu.dma_semaphore, #tpu.memory_space<semaphore_mem>>) src(%dma_wait3A_256 : memref<2x120xi32, #tpu.memory_space<hbm>>) dst(%dma_wait3A_253 : memref<2x120xi32, #tpu.memory_space<vmem>>)
        %dma_start3A_257 = arith.constant 0 : i32
        %dma_start3A_258 = arith.constant 0 : i32
        %dma_start3A_259 = arith.constant 0 : i32
        %dma_start3A_260 = tpu.memref_slice %arg7[%rem3A_188, %dma_start3A_258, %dma_start3A_259] : memref<3x120x128xf32, #tpu.memory_space<vmem>> -> memref<1x120x128xf32, #tpu.memory_space<vmem>>
        %dma_start3A_261 = tpu.memref_squeeze %dma_start3A_260 : memref<1x120x128xf32, #tpu.memory_space<vmem>> -> memref<120x128xf32, #tpu.memory_space<vmem>>
        %dma_start3A_262 = arith.constant 0 : i32
        %dma_start3A_263 = tpu.memref_slice %arg6[%rem3A_194, %dma_start3A_257, %dma_start3A_262] : memref<8x2x120xi32, #tpu.memory_space<vmem>> -> memref<1x1x120xi32, #tpu.memory_space<vmem>>
        %dma_start3A_264 = tpu.memref_squeeze %dma_start3A_263 : memref<1x1x120xi32, #tpu.memory_space<vmem>> -> memref<120xi32, #tpu.memory_space<vmem>>
        %dma_start3A_265 = arith.constant 0 : i32
        %dma_start3A_266 = arith.constant 0 : i32
        %dma_start3A_267 = tpu.memref_slice %arg2[%dma_start3A_265, %dma_start3A_266] : memref<20000x128xf32, #tpu.memory_space<hbm>> -> memref<20000x128xf32, #tpu.memory_space<hbm>>
        %dma_start3A_268 = tpu.memref_slice %arg10[%rem3A_188] : memref<3x!tpu.dma_semaphore, #tpu.memory_space<semaphore_mem>> -> memref<1x!tpu.dma_semaphore, #tpu.memory_space<semaphore_mem>>
        %dma_start3A_269 = tpu.memref_squeeze %dma_start3A_268 : memref<1x!tpu.dma_semaphore, #tpu.memory_space<semaphore_mem>> -> memref<!tpu.dma_semaphore, #tpu.memory_space<semaphore_mem>>
        tpu.enqueue_indirect_dma source(%dma_start3A_267 : memref<20000x128xf32, #tpu.memory_space<hbm>>) target(%dma_start3A_261 : memref<120x128xf32, #tpu.memory_space<vmem>>) offsets(%dma_start3A_264 : memref<120xi32, #tpu.memory_space<vmem>>) semaphore(%dma_start3A_269 : memref<!tpu.dma_semaphore, #tpu.memory_space<semaphore_mem>>)
      } else {
      }
    }
    %scan3A_155 = arith.constant 167 : i32
    %dma_wait3A_156 = arith.constant 1 : i32
    %dma_wait3A_157 = arith.constant 0 : i32
    %dma_wait3A_158 = arith.constant 1 : i32
    %dma_wait3A_159 = arith.constant 1 : i32
    %dma_wait3A_160 = arith.constant 0 : i32
    %dma_wait3A_161 = arith.constant 0 : i32
    %dma_wait3A_162 = tpu.memref_slice %arg7[%dma_wait3A_156, %dma_wait3A_160, %dma_wait3A_161] : memref<3x120x128xf32, #tpu.memory_space<vmem>> -> memref<1x120x128xf32, #tpu.memory_space<vmem>>
    %dma_wait3A_163 = tpu.memref_squeeze %dma_wait3A_162 : memref<1x120x128xf32, #tpu.memory_space<vmem>> -> memref<120x128xf32, #tpu.memory_space<vmem>>
    %dma_wait3A_164 = arith.constant 0 : i32
    %dma_wait3A_165 = tpu.memref_slice %arg6[%dma_wait3A_157, %dma_wait3A_158, %dma_wait3A_164] : memref<8x2x120xi32, #tpu.memory_space<vmem>> -> memref<1x1x120xi32, #tpu.memory_space<vmem>>
    %dma_wait3A_166 = tpu.memref_squeeze %dma_wait3A_165 : memref<1x1x120xi32, #tpu.memory_space<vmem>> -> memref<120xi32, #tpu.memory_space<vmem>>
    %dma_wait3A_167 = arith.constant 0 : i32
    %dma_wait3A_168 = arith.constant 0 : i32
    %dma_wait3A_169 = tpu.memref_slice %arg8[%dma_wait3A_167, %dma_wait3A_168] : memref<10112x128xf32, #tpu.memory_space<vmem_shared>> -> memref<10112x128xf32, #tpu.memory_space<vmem_shared>>
    %dma_wait3A_170 = tpu.memref_slice %arg11[%dma_wait3A_159] : memref<3x!tpu.dma_semaphore, #tpu.memory_space<semaphore_mem>> -> memref<1x!tpu.dma_semaphore, #tpu.memory_space<semaphore_mem>>
    %dma_wait3A_171 = tpu.memref_squeeze %dma_wait3A_170 : memref<1x!tpu.dma_semaphore, #tpu.memory_space<semaphore_mem>> -> memref<!tpu.dma_semaphore, #tpu.memory_space<semaphore_mem>>
    tpu.wait_indirect_dma semaphore(%dma_wait3A_171 : memref<!tpu.dma_semaphore, #tpu.memory_space<semaphore_mem>>) src(%dma_wait3A_163 : memref<120x128xf32, #tpu.memory_space<vmem>>) dst(%dma_wait3A_169 : memref<10112x128xf32, #tpu.memory_space<vmem_shared>>)
    %barrier3A_172 = arith.constant 0 : index
    tpu.barrier barrier_id(%barrier3A_172)
    %mul3A_173 = arith.constant 632 : i32
    %mul3A_174 = arith.muli %arg1, %mul3A_173 : i32
    %mul3A_175 = arith.constant 10112 : i32
    %mul3A_176 = arith.muli %arg0, %mul3A_175 : i32
    %mul3A_177 = arith.constant 632 : i32
    %mul3A_178 = arith.muli %arg1, %mul3A_177 : i32
    %add3A_179 = arith.addi %mul3A_176, %mul3A_178 : i32
    "tpu.region"() ({
      %run_scoped3A = tpu.sem_alloc : memref<!tpu.dma_semaphore, #tpu.memory_space<semaphore_mem>>
      %dma_start3A_180 = arith.constant 0 : i32
      %dma_start3A_181 = tpu.memref_slice %arg5[%add3A_179, %dma_start3A_180] : memref<20224x128xf32, #tpu.memory_space<hbm>> -> memref<632x128xf32, #tpu.memory_space<hbm>>
      %dma_start3A_182 = arith.constant 0 : i32
      %dma_start3A_183 = tpu.memref_slice %arg8[%mul3A_174, %dma_start3A_182] : memref<10112x128xf32, #tpu.memory_space<vmem_shared>> -> memref<632x128xf32, #tpu.memory_space<vmem_shared>>
      tpu.enqueue_dma source(%dma_start3A_183 : memref<632x128xf32, #tpu.memory_space<vmem_shared>>) target(%dma_start3A_181 : memref<632x128xf32, #tpu.memory_space<hbm>>) target_semaphore(%run_scoped3A : memref<!tpu.dma_semaphore, #tpu.memory_space<semaphore_mem>>)
      %dma_wait3A_184 = arith.constant 0 : i32
      %dma_wait3A_185 = tpu.memref_slice %arg5[%add3A_179, %dma_wait3A_184] : memref<20224x128xf32, #tpu.memory_space<hbm>> -> memref<632x128xf32, #tpu.memory_space<hbm>>
      %dma_wait3A_186 = arith.constant 0 : i32
      %dma_wait3A_187 = tpu.memref_slice %arg8[%mul3A_174, %dma_wait3A_186] : memref<10112x128xf32, #tpu.memory_space<vmem_shared>> -> memref<632x128xf32, #tpu.memory_space<vmem_shared>>
      tpu.wait_dma2 semaphore(%run_scoped3A : memref<!tpu.dma_semaphore, #tpu.memory_space<semaphore_mem>>) src(%dma_wait3A_187 : memref<632x128xf32, #tpu.memory_space<vmem_shared>>) dst(%dma_wait3A_185 : memref<632x128xf32, #tpu.memory_space<hbm>>)
      tpu.yield
    }) : () -> ()
    return
  }
}

module attributes {stable_mosaic.version = 14 : i64} {
  func.func @_proj_body(%arg0: i32, %arg1: memref<1000x128xf32, #tpu.memory_space<vmem>>, %arg2: memref<128x256xf32, #tpu.memory_space<vmem>>, %arg3: memref<1x256xf32, #tpu.memory_space<vmem>>, %arg4: memref<2x1000x128xf32, #tpu.memory_space<vmem>>) attributes {dimension_semantics = [#tpu.dimension_semantics<arbitrary>], iteration_bounds = array<i64: 10>, scalar_prefetch = 0 : i64, scratch_operands = 0 : i64, tpu.core_type = #tpu.core_type<tc>, window_params = [{transform_indices = @transform_0, window_bounds = array<i64: 1000, 128>}, {pipeline_mode = #tpu.pipeline_mode<synchronous>, transform_indices = @transform_1, window_bounds = array<i64: 128, 256>}, {pipeline_mode = #tpu.pipeline_mode<synchronous>, transform_indices = @transform_2, window_bounds = array<i64: 1, 256>}, {transform_indices = @transform_3, window_bounds = array<i64: 2, 1000, 128>}]} {
    %get3A = arith.constant 0 : index
    %get3A_0 = arith.constant 0 : index
    %get3A_1 = vector.load %arg1[%get3A, %get3A_0] : memref<1000x128xf32, #tpu.memory_space<vmem>>, vector<1000x128xf32>
    %get3A_2 = arith.constant 0 : index
    %get3A_3 = arith.constant 0 : index
    %get3A_4 = vector.load %arg2[%get3A_2, %get3A_3] : memref<128x256xf32, #tpu.memory_space<vmem>>, vector<128x256xf32>
    %dot_general3A = arith.constant dense<0.000000e+00> : vector<1000x256xf32>
    %dot_general3A_5 = tpu.matmul %get3A_1, %get3A_4, %dot_general3A {dimension_numbers = #tpu.dot_dimension_numbers<[1], [0], [0], [1], [0, 0, 1, 1], [], []>, transpose_lhs_hint = false} : vector<1000x128xf32>, vector<128x256xf32>, vector<1000x256xf32> -> vector<1000x256xf32>
    %get3A_6 = arith.constant 0 : index
    %get3A_7 = arith.constant 0 : index
    %get3A_8 = vector.load %arg3[%get3A_6, %get3A_7] : memref<1x256xf32, #tpu.memory_space<vmem>>, vector<1x256xf32>
    %add3A = vector.broadcast %get3A_8 : vector<1x256xf32> to vector<1000x256xf32>
    %add3A_9 = arith.addf %dot_general3A_5, %add3A : vector<1000x256xf32>
    %slice3A = vector.extract_strided_slice %add3A_9 {offsets = [0, 0], sizes = [1000, 128], strides = [1, 1]} : vector<1000x256xf32> to vector<1000x128xf32>
    %swap3A = arith.constant 0 : index
    %swap3A_10 = arith.constant 0 : index
    %swap3A_11 = arith.constant 0 : index
    %swap3A_12 = vector.load %arg4[%swap3A, %swap3A_10, %swap3A_11] : memref<2x1000x128xf32, #tpu.memory_space<vmem>>, vector<1x1000x128xf32>
    %swap3A_13 = vector.shape_cast %swap3A_12 : vector<1x1000x128xf32> to vector<1000x128xf32>
    %swap3A_14 = vector.shape_cast %slice3A : vector<1000x128xf32> to vector<1x1000x128xf32>
    tpu.vector_store %arg4[%swap3A, %swap3A_10, %swap3A_11], %swap3A_14 {strides = array<i32>} : memref<2x1000x128xf32, #tpu.memory_space<vmem>>, vector<1x1000x128xf32>,
    %slice3A_15 = vector.extract_strided_slice %add3A_9 {offsets = [0, 128], sizes = [1000, 128], strides = [1, 1]} : vector<1000x256xf32> to vector<1000x128xf32>
    %swap3A_16 = arith.constant 1 : index
    %swap3A_17 = arith.constant 0 : index
    %swap3A_18 = arith.constant 0 : index
    %swap3A_19 = vector.load %arg4[%swap3A_16, %swap3A_17, %swap3A_18] : memref<2x1000x128xf32, #tpu.memory_space<vmem>>, vector<1x1000x128xf32>
    %swap3A_20 = vector.shape_cast %swap3A_19 : vector<1x1000x128xf32> to vector<1000x128xf32>
    %swap3A_21 = vector.shape_cast %slice3A_15 : vector<1000x128xf32> to vector<1x1000x128xf32>
    tpu.vector_store %arg4[%swap3A_16, %swap3A_17, %swap3A_18], %swap3A_21 {strides = array<i32>} : memref<2x1000x128xf32, #tpu.memory_space<vmem>>, vector<1x1000x128xf32>,
    return
  }
  func.func @transform_0(%arg0: i32) -> (i32, i32) {
    %c0_i32 = arith.constant 0 : i32
    %c0_i32_0 = arith.constant 0 : i32
    return %arg0, %c0_i32 : i32, i32
  }
  func.func @transform_1(%arg0: i32) -> (i32, i32) {
    %c0_i32 = arith.constant 0 : i32
    %c0_i32_0 = arith.constant 0 : i32
    %c0_i32_1 = arith.constant 0 : i32
    return %c0_i32, %c0_i32_0 : i32, i32
  }
  func.func @transform_2(%arg0: i32) -> (i32, i32) {
    %c0_i32 = arith.constant 0 : i32
    %c0_i32_0 = arith.constant 0 : i32
    %c0_i32_1 = arith.constant 0 : i32
    return %c0_i32, %c0_i32_0 : i32, i32
  }
  func.func @transform_3(%arg0: i32) -> (i32, i32, i32) {
    %c0_i32 = arith.constant 0 : i32
    %c0_i32_0 = arith.constant 0 : i32
    %c0_i32_1 = arith.constant 0 : i32
    return %c0_i32, %arg0, %c0_i32_0 : i32, i32, i32
  }
}

module attributes {stable_mosaic.version = 14 : i64} {
  func.func @_part_body(%arg0: i32, %arg1: memref<2x1000x128xf32, #tpu.memory_space<vmem>>, %arg2: memref<256x256xf32, #tpu.memory_space<vmem>>, %arg3: memref<1x256xf32, #tpu.memory_space<vmem>>, %arg4: memref<2x1000x128xf32, #tpu.memory_space<vmem>>) attributes {dimension_semantics = [#tpu.dimension_semantics<arbitrary>], iteration_bounds = array<i64: 10>, scalar_prefetch = 0 : i64, scratch_operands = 0 : i64, tpu.core_type = #tpu.core_type<tc>, window_params = [{transform_indices = @transform_0, window_bounds = array<i64: 2, 1000, 128>}, {pipeline_mode = #tpu.pipeline_mode<synchronous>, transform_indices = @transform_1, window_bounds = array<i64: 256, 256>}, {pipeline_mode = #tpu.pipeline_mode<synchronous>, transform_indices = @transform_2, window_bounds = array<i64: 1, 256>}, {transform_indices = @transform_3, window_bounds = array<i64: 2, 1000, 128>}]} {
    %get3A = arith.constant 0 : index
    %get3A_0 = arith.constant 0 : index
    %get3A_1 = arith.constant 0 : index
    %get3A_2 = vector.load %arg1[%get3A, %get3A_0, %get3A_1] : memref<2x1000x128xf32, #tpu.memory_space<vmem>>, vector<1x1000x128xf32>
    %get3A_3 = vector.shape_cast %get3A_2 : vector<1x1000x128xf32> to vector<1000x128xf32>
    %get3A_4 = arith.constant 0 : index
    %get3A_5 = arith.constant 0 : index
    %get3A_6 = vector.load %arg2[%get3A_4, %get3A_5] : memref<256x256xf32, #tpu.memory_space<vmem>>, vector<128x256xf32>
    %dot_general3A = arith.constant dense<0.000000e+00> : vector<1000x256xf32>
    %dot_general3A_7 = tpu.matmul %get3A_3, %get3A_6, %dot_general3A {dimension_numbers = #tpu.dot_dimension_numbers<[1], [0], [0], [1], [0, 0, 1, 1], [], []>, transpose_lhs_hint = false} : vector<1000x128xf32>, vector<128x256xf32>, vector<1000x256xf32> -> vector<1000x256xf32>
    %get3A_8 = arith.constant 1 : index
    %get3A_9 = arith.constant 0 : index
    %get3A_10 = arith.constant 0 : index
    %get3A_11 = vector.load %arg1[%get3A_8, %get3A_9, %get3A_10] : memref<2x1000x128xf32, #tpu.memory_space<vmem>>, vector<1x1000x128xf32>
    %get3A_12 = vector.shape_cast %get3A_11 : vector<1x1000x128xf32> to vector<1000x128xf32>
    %get3A_13 = arith.constant 128 : index
    %get3A_14 = arith.constant 0 : index
    %get3A_15 = vector.load %arg2[%get3A_13, %get3A_14] : memref<256x256xf32, #tpu.memory_space<vmem>>, vector<128x256xf32>
    %dot_general3A_16 = arith.constant dense<0.000000e+00> : vector<1000x256xf32>
    %dot_general3A_17 = tpu.matmul %get3A_12, %get3A_15, %dot_general3A_16 {dimension_numbers = #tpu.dot_dimension_numbers<[1], [0], [0], [1], [0, 0, 1, 1], [], []>, transpose_lhs_hint = false} : vector<1000x128xf32>, vector<128x256xf32>, vector<1000x256xf32> -> vector<1000x256xf32>
    %add3A = arith.addf %dot_general3A_7, %dot_general3A_17 : vector<1000x256xf32>
    %get3A_18 = arith.constant 0 : index
    %get3A_19 = arith.constant 0 : index
    %get3A_20 = vector.load %arg3[%get3A_18, %get3A_19] : memref<1x256xf32, #tpu.memory_space<vmem>>, vector<1x256xf32>
    %add3A_21 = vector.broadcast %get3A_20 : vector<1x256xf32> to vector<1000x256xf32>
    %add3A_22 = arith.addf %add3A, %add3A_21 : vector<1000x256xf32>
    %slice3A = vector.extract_strided_slice %add3A_22 {offsets = [0, 0], sizes = [1000, 128], strides = [1, 1]} : vector<1000x256xf32> to vector<1000x128xf32>
    %swap3A = arith.constant 0 : index
    %swap3A_23 = arith.constant 0 : index
    %swap3A_24 = arith.constant 0 : index
    %swap3A_25 = vector.load %arg4[%swap3A, %swap3A_23, %swap3A_24] : memref<2x1000x128xf32, #tpu.memory_space<vmem>>, vector<1x1000x128xf32>
    %swap3A_26 = vector.shape_cast %swap3A_25 : vector<1x1000x128xf32> to vector<1000x128xf32>
    %swap3A_27 = vector.shape_cast %slice3A : vector<1000x128xf32> to vector<1x1000x128xf32>
    tpu.vector_store %arg4[%swap3A, %swap3A_23, %swap3A_24], %swap3A_27 {strides = array<i32>} : memref<2x1000x128xf32, #tpu.memory_space<vmem>>, vector<1x1000x128xf32>,
    %slice3A_28 = vector.extract_strided_slice %add3A_22 {offsets = [0, 128], sizes = [1000, 128], strides = [1, 1]} : vector<1000x256xf32> to vector<1000x128xf32>
    %swap3A_29 = arith.constant 1 : index
    %swap3A_30 = arith.constant 0 : index
    %swap3A_31 = arith.constant 0 : index
    %swap3A_32 = vector.load %arg4[%swap3A_29, %swap3A_30, %swap3A_31] : memref<2x1000x128xf32, #tpu.memory_space<vmem>>, vector<1x1000x128xf32>
    %swap3A_33 = vector.shape_cast %swap3A_32 : vector<1x1000x128xf32> to vector<1000x128xf32>
    %swap3A_34 = vector.shape_cast %slice3A_28 : vector<1000x128xf32> to vector<1x1000x128xf32>
    tpu.vector_store %arg4[%swap3A_29, %swap3A_30, %swap3A_31], %swap3A_34 {strides = array<i32>} : memref<2x1000x128xf32, #tpu.memory_space<vmem>>, vector<1x1000x128xf32>,
    return
  }
  func.func @transform_0(%arg0: i32) -> (i32, i32, i32) {
    %c0_i32 = arith.constant 0 : i32
    %c0_i32_0 = arith.constant 0 : i32
    %c0_i32_1 = arith.constant 0 : i32
    return %c0_i32, %arg0, %c0_i32_0 : i32, i32, i32
  }
  func.func @transform_1(%arg0: i32) -> (i32, i32) {
    %c0_i32 = arith.constant 0 : i32
    %c0_i32_0 = arith.constant 0 : i32
    %c0_i32_1 = arith.constant 0 : i32
    return %c0_i32, %c0_i32_0 : i32, i32
  }
  func.func @transform_2(%arg0: i32) -> (i32, i32) {
    %c0_i32 = arith.constant 0 : i32
    %c0_i32_0 = arith.constant 0 : i32
    %c0_i32_1 = arith.constant 0 : i32
    return %c0_i32, %c0_i32_0 : i32, i32
  }
  func.func @transform_3(%arg0: i32) -> (i32, i32, i32) {
    %c0_i32 = arith.constant 0 : i32
    %c0_i32_0 = arith.constant 0 : i32
    %c0_i32_1 = arith.constant 0 : i32
    return %c0_i32, %arg0, %c0_i32_0 : i32, i32, i32
  }
}

module attributes {stable_mosaic.version = 14 : i64} {
  func.func @_fin_body(%arg0: i32, %arg1: memref<2x1000x128xf32, #tpu.memory_space<vmem>>, %arg2: memref<2x1000x128xf32, #tpu.memory_space<vmem>>, %arg3: memref<256x256xf32, #tpu.memory_space<vmem>>, %arg4: memref<2x1000x128xf32, #tpu.memory_space<vmem>>) attributes {dimension_semantics = [#tpu.dimension_semantics<arbitrary>], iteration_bounds = array<i64: 10>, scalar_prefetch = 0 : i64, scratch_operands = 0 : i64, tpu.core_type = #tpu.core_type<tc>, window_params = [{transform_indices = @transform_0, window_bounds = array<i64: 2, 1000, 128>}, {transform_indices = @transform_1, window_bounds = array<i64: 2, 1000, 128>}, {pipeline_mode = #tpu.pipeline_mode<synchronous>, transform_indices = @transform_2, window_bounds = array<i64: 256, 256>}, {transform_indices = @transform_3, window_bounds = array<i64: 2, 1000, 128>}]} {
    %get3A = arith.constant 0 : index
    %get3A_0 = arith.constant 0 : index
    %get3A_1 = arith.constant 0 : index
    %get3A_2 = vector.load %arg1[%get3A, %get3A_0, %get3A_1] : memref<2x1000x128xf32, #tpu.memory_space<vmem>>, vector<1x1000x128xf32>
    %get3A_3 = vector.shape_cast %get3A_2 : vector<1x1000x128xf32> to vector<1000x128xf32>
    %get3A_4 = arith.constant 1 : index
    %get3A_5 = arith.constant 0 : index
    %get3A_6 = arith.constant 0 : index
    %get3A_7 = vector.load %arg1[%get3A_4, %get3A_5, %get3A_6] : memref<2x1000x128xf32, #tpu.memory_space<vmem>>, vector<1x1000x128xf32>
    %get3A_8 = vector.shape_cast %get3A_7 : vector<1x1000x128xf32> to vector<1000x128xf32>
    %concatenate3A = tpu.concatenate %get3A_3, %get3A_8 in 1 : vector<1000x128xf32>, vector<1000x128xf32> -> vector<1000x256xf32>
    %get3A_9 = arith.constant 0 : index
    %get3A_10 = arith.constant 0 : index
    %get3A_11 = arith.constant 0 : index
    %get3A_12 = vector.load %arg2[%get3A_9, %get3A_10, %get3A_11] : memref<2x1000x128xf32, #tpu.memory_space<vmem>>, vector<1x1000x128xf32>
    %get3A_13 = vector.shape_cast %get3A_12 : vector<1x1000x128xf32> to vector<1000x128xf32>
    %get3A_14 = arith.constant 0 : index
    %get3A_15 = arith.constant 0 : index
    %get3A_16 = vector.load %arg3[%get3A_14, %get3A_15] : memref<256x256xf32, #tpu.memory_space<vmem>>, vector<128x256xf32>
    %dot_general3A = arith.constant dense<0.000000e+00> : vector<1000x256xf32>
    %dot_general3A_17 = tpu.matmul %get3A_13, %get3A_16, %dot_general3A {dimension_numbers = #tpu.dot_dimension_numbers<[1], [0], [0], [1], [0, 0, 1, 1], [], []>, transpose_lhs_hint = false} : vector<1000x128xf32>, vector<128x256xf32>, vector<1000x256xf32> -> vector<1000x256xf32>
    %add3A = arith.addf %concatenate3A, %dot_general3A_17 : vector<1000x256xf32>
    %get3A_18 = arith.constant 1 : index
    %get3A_19 = arith.constant 0 : index
    %get3A_20 = arith.constant 0 : index
    %get3A_21 = vector.load %arg2[%get3A_18, %get3A_19, %get3A_20] : memref<2x1000x128xf32, #tpu.memory_space<vmem>>, vector<1x1000x128xf32>
    %get3A_22 = vector.shape_cast %get3A_21 : vector<1x1000x128xf32> to vector<1000x128xf32>
    %get3A_23 = arith.constant 128 : index
    %get3A_24 = arith.constant 0 : index
    %get3A_25 = vector.load %arg3[%get3A_23, %get3A_24] : memref<256x256xf32, #tpu.memory_space<vmem>>, vector<128x256xf32>
    %dot_general3A_26 = arith.constant dense<0.000000e+00> : vector<1000x256xf32>
    %dot_general3A_27 = tpu.matmul %get3A_22, %get3A_25, %dot_general3A_26 {dimension_numbers = #tpu.dot_dimension_numbers<[1], [0], [0], [1], [0, 0, 1, 1], [], []>, transpose_lhs_hint = false} : vector<1000x128xf32>, vector<128x256xf32>, vector<1000x256xf32> -> vector<1000x256xf32>
    %add3A_28 = arith.addf %add3A, %dot_general3A_27 : vector<1000x256xf32>
    %max3A = arith.constant 0.000000e+00 : f32
    %max3A_29 = vector.broadcast %max3A : f32 to vector<1000x256xf32>
    %max3A_30 = arith.maximumf %add3A_28, %max3A_29 : vector<1000x256xf32>
    %slice3A = vector.extract_strided_slice %max3A_30 {offsets = [0, 0], sizes = [1000, 128], strides = [1, 1]} : vector<1000x256xf32> to vector<1000x128xf32>
    %swap3A = arith.constant 0 : index
    %swap3A_31 = arith.constant 0 : index
    %swap3A_32 = arith.constant 0 : index
    %swap3A_33 = vector.load %arg4[%swap3A, %swap3A_31, %swap3A_32] : memref<2x1000x128xf32, #tpu.memory_space<vmem>>, vector<1x1000x128xf32>
    %swap3A_34 = vector.shape_cast %swap3A_33 : vector<1x1000x128xf32> to vector<1000x128xf32>
    %swap3A_35 = vector.shape_cast %slice3A : vector<1000x128xf32> to vector<1x1000x128xf32>
    tpu.vector_store %arg4[%swap3A, %swap3A_31, %swap3A_32], %swap3A_35 {strides = array<i32>} : memref<2x1000x128xf32, #tpu.memory_space<vmem>>, vector<1x1000x128xf32>,
    %slice3A_36 = vector.extract_strided_slice %max3A_30 {offsets = [0, 128], sizes = [1000, 128], strides = [1, 1]} : vector<1000x256xf32> to vector<1000x128xf32>
    %swap3A_37 = arith.constant 1 : index
    %swap3A_38 = arith.constant 0 : index
    %swap3A_39 = arith.constant 0 : index
    %swap3A_40 = vector.load %arg4[%swap3A_37, %swap3A_38, %swap3A_39] : memref<2x1000x128xf32, #tpu.memory_space<vmem>>, vector<1x1000x128xf32>
    %swap3A_41 = vector.shape_cast %swap3A_40 : vector<1x1000x128xf32> to vector<1000x128xf32>
    %swap3A_42 = vector.shape_cast %slice3A_36 : vector<1000x128xf32> to vector<1x1000x128xf32>
    tpu.vector_store %arg4[%swap3A_37, %swap3A_38, %swap3A_39], %swap3A_42 {strides = array<i32>} : memref<2x1000x128xf32, #tpu.memory_space<vmem>>, vector<1x1000x128xf32>,
    return
  }
  func.func @transform_0(%arg0: i32) -> (i32, i32, i32) {
    %c0_i32 = arith.constant 0 : i32
    %c0_i32_0 = arith.constant 0 : i32
    %c0_i32_1 = arith.constant 0 : i32
    return %c0_i32, %arg0, %c0_i32_0 : i32, i32, i32
  }
  func.func @transform_1(%arg0: i32) -> (i32, i32, i32) {
    %c0_i32 = arith.constant 0 : i32
    %c0_i32_0 = arith.constant 0 : i32
    %c0_i32_1 = arith.constant 0 : i32
    return %c0_i32, %arg0, %c0_i32_0 : i32, i32, i32
  }
  func.func @transform_2(%arg0: i32) -> (i32, i32) {
    %c0_i32 = arith.constant 0 : i32
    %c0_i32_0 = arith.constant 0 : i32
    %c0_i32_1 = arith.constant 0 : i32
    return %c0_i32, %c0_i32_0 : i32, i32
  }
  func.func @transform_3(%arg0: i32) -> (i32, i32, i32) {
    %c0_i32 = arith.constant 0 : i32
    %c0_i32_0 = arith.constant 0 : i32
    %c0_i32_1 = arith.constant 0 : i32
    return %c0_i32, %arg0, %c0_i32_0 : i32, i32, i32
  }
}

module attributes {stable_mosaic.version = 14 : i64} {
  func.func @_fin_body(%arg0: i32, %arg1: memref<2x1000x128xf32, #tpu.memory_space<vmem>>, %arg2: memref<2x1000x128xf32, #tpu.memory_space<vmem>>, %arg3: memref<256x256xf32, #tpu.memory_space<vmem>>, %arg4: memref<1000x256xf32, #tpu.memory_space<vmem>>) attributes {dimension_semantics = [#tpu.dimension_semantics<arbitrary>], iteration_bounds = array<i64: 10>, scalar_prefetch = 0 : i64, scratch_operands = 0 : i64, tpu.core_type = #tpu.core_type<tc>, window_params = [{transform_indices = @transform_0, window_bounds = array<i64: 2, 1000, 128>}, {transform_indices = @transform_1, window_bounds = array<i64: 2, 1000, 128>}, {pipeline_mode = #tpu.pipeline_mode<synchronous>, transform_indices = @transform_2, window_bounds = array<i64: 256, 256>}, {transform_indices = @transform_3, window_bounds = array<i64: 1000, 256>}]} {
    %get3A = arith.constant 0 : index
    %get3A_0 = arith.constant 0 : index
    %get3A_1 = arith.constant 0 : index
    %get3A_2 = vector.load %arg1[%get3A, %get3A_0, %get3A_1] : memref<2x1000x128xf32, #tpu.memory_space<vmem>>, vector<1x1000x128xf32>
    %get3A_3 = vector.shape_cast %get3A_2 : vector<1x1000x128xf32> to vector<1000x128xf32>
    %get3A_4 = arith.constant 1 : index
    %get3A_5 = arith.constant 0 : index
    %get3A_6 = arith.constant 0 : index
    %get3A_7 = vector.load %arg1[%get3A_4, %get3A_5, %get3A_6] : memref<2x1000x128xf32, #tpu.memory_space<vmem>>, vector<1x1000x128xf32>
    %get3A_8 = vector.shape_cast %get3A_7 : vector<1x1000x128xf32> to vector<1000x128xf32>
    %concatenate3A = tpu.concatenate %get3A_3, %get3A_8 in 1 : vector<1000x128xf32>, vector<1000x128xf32> -> vector<1000x256xf32>
    %get3A_9 = arith.constant 0 : index
    %get3A_10 = arith.constant 0 : index
    %get3A_11 = arith.constant 0 : index
    %get3A_12 = vector.load %arg2[%get3A_9, %get3A_10, %get3A_11] : memref<2x1000x128xf32, #tpu.memory_space<vmem>>, vector<1x1000x128xf32>
    %get3A_13 = vector.shape_cast %get3A_12 : vector<1x1000x128xf32> to vector<1000x128xf32>
    %get3A_14 = arith.constant 0 : index
    %get3A_15 = arith.constant 0 : index
    %get3A_16 = vector.load %arg3[%get3A_14, %get3A_15] : memref<256x256xf32, #tpu.memory_space<vmem>>, vector<128x256xf32>
    %dot_general3A = arith.constant dense<0.000000e+00> : vector<1000x256xf32>
    %dot_general3A_17 = tpu.matmul %get3A_13, %get3A_16, %dot_general3A {dimension_numbers = #tpu.dot_dimension_numbers<[1], [0], [0], [1], [0, 0, 1, 1], [], []>, transpose_lhs_hint = false} : vector<1000x128xf32>, vector<128x256xf32>, vector<1000x256xf32> -> vector<1000x256xf32>
    %add3A = arith.addf %concatenate3A, %dot_general3A_17 : vector<1000x256xf32>
    %get3A_18 = arith.constant 1 : index
    %get3A_19 = arith.constant 0 : index
    %get3A_20 = arith.constant 0 : index
    %get3A_21 = vector.load %arg2[%get3A_18, %get3A_19, %get3A_20] : memref<2x1000x128xf32, #tpu.memory_space<vmem>>, vector<1x1000x128xf32>
    %get3A_22 = vector.shape_cast %get3A_21 : vector<1x1000x128xf32> to vector<1000x128xf32>
    %get3A_23 = arith.constant 128 : index
    %get3A_24 = arith.constant 0 : index
    %get3A_25 = vector.load %arg3[%get3A_23, %get3A_24] : memref<256x256xf32, #tpu.memory_space<vmem>>, vector<128x256xf32>
    %dot_general3A_26 = arith.constant dense<0.000000e+00> : vector<1000x256xf32>
    %dot_general3A_27 = tpu.matmul %get3A_22, %get3A_25, %dot_general3A_26 {dimension_numbers = #tpu.dot_dimension_numbers<[1], [0], [0], [1], [0, 0, 1, 1], [], []>, transpose_lhs_hint = false} : vector<1000x128xf32>, vector<128x256xf32>, vector<1000x256xf32> -> vector<1000x256xf32>
    %add3A_28 = arith.addf %add3A, %dot_general3A_27 : vector<1000x256xf32>
    %swap3A = arith.constant 0 : index
    %swap3A_29 = arith.constant 0 : index
    %swap3A_30 = vector.load %arg4[%swap3A, %swap3A_29] : memref<1000x256xf32, #tpu.memory_space<vmem>>, vector<1000x256xf32>
    tpu.vector_store %arg4[%swap3A, %swap3A_29], %add3A_28 {strides = array<i32>} : memref<1000x256xf32, #tpu.memory_space<vmem>>, vector<1000x256xf32>,
    return
  }
  func.func @transform_0(%arg0: i32) -> (i32, i32, i32) {
    %c0_i32 = arith.constant 0 : i32
    %c0_i32_0 = arith.constant 0 : i32
    %c0_i32_1 = arith.constant 0 : i32
    return %c0_i32, %arg0, %c0_i32_0 : i32, i32, i32
  }
  func.func @transform_1(%arg0: i32) -> (i32, i32, i32) {
    %c0_i32 = arith.constant 0 : i32
    %c0_i32_0 = arith.constant 0 : i32
    %c0_i32_1 = arith.constant 0 : i32
    return %c0_i32, %arg0, %c0_i32_0 : i32, i32, i32
  }
  func.func @transform_2(%arg0: i32) -> (i32, i32) {
    %c0_i32 = arith.constant 0 : i32
    %c0_i32_0 = arith.constant 0 : i32
    %c0_i32_1 = arith.constant 0 : i32
    return %c0_i32, %c0_i32_0 : i32, i32
  }
  func.func @transform_3(%arg0: i32) -> (i32, i32) {
    %c0_i32 = arith.constant 0 : i32
    %c0_i32_0 = arith.constant 0 : i32
    return %arg0, %c0_i32 : i32, i32
  }
}

</mosaic_0001>

<sc_bundles>
// kernel: kernel.12.cloned.1.call-start
scs
__scs_entry_jumppad:
0x0: {  	(pc) =	sbr.rel $0x88, $3  }
0x1: {  	(tag) =	ssettag $0x0;
	lr =	simm.s32 $0x1  }
0x2: {  	[smem:$0x3F94] =	sst lr;
	_ =	strace $0xD0000000  }
0x3: {  	_ = 	snop  }
0x4: {  	_ = 	snop  }
0x5: {  	_ = 	snop  }
0x6: {  	_ = 	snop  }
0x7: {  	_ = 	snop  }
__scs_overlays_trampoline_lowered:
0x8: {  	[smem:$0x3FA3] =	sst s0  }
0x9: {  	[smem:$0x3FA4] =	sst s1  }
0xa: {  	[smem:$0x3FA5] =	sst s2  }
0xb: {  	[smem:$0x3FA6] =	sst s3  }
0xc: {  	[smem:$0x3FA7] =	sst s4  }
0xd: {  	[smem:$0x3FA8] =	sst s5  }
0xe: {  	[smem:$0x3FA9] =	sst s6  }
0xf: {  	[smem:$0x3FAA] =	sst s7  }
0x10: {  	[smem:$0x3FAB] =	sst s8  }
0x11: {  	[smem:$0x3FAC] =	sst s9;
	s0 =	simm.s32 @!p0 $0x0  }
0x12: {  	s1 =	sld [smem:$0x3F92];
	s0 =	simm.s32 @p0 $0x1  }
0x13: {  	[smem:$0x3FAD] =	sst s0;
	s0 =	simm.s32 @!p1 $0x0  }
0x14: {  	s2 =	sld [smem:$0x3F91];
	s0 =	simm.s32 @p1 $0x1  }
0x15: {  	[smem:$0x3FAE] =	sst s0;
	s0 =	simm.s32 @!p2 $0x0  }
0x16: {  	s3 =	sld [smem:$0x3FDB];
	s0 =	simm.s32 @p2 $0x1  }
0x17: {  	s4 =	simm.s32 $0x1BF5;
	[smem:$0x3FB0] =	sst s0  }
0x18: {  	s0 =	sld [smem:$0x3F93];
	_ =	swait.ge [sflag:s4], $0x0  }
0x19: {  	s7 =	sld [smem:$0x3F94]  }
0x1a: {  	s8 =	sadd.s32 $0xFFFFE003, lr  }
0x1b: {  	s9 =	sadd.s32 $0xFFFFFEF7, lr;
	s5 =	simm.s32 $0xFFFFFFFF;
	p2 =	slt.u32 s8, $0xFFFFF086  }
0x1c: {  	p1 =	slt.u32 s9, $0xF7A;
	s5 =	simm.s32 @!p2 $0x0  }
0x1d: {  	s5 =	simm.s32 @p1 $0x1;
	p0 =	seq.s32 s7, s2  }
0x1e: {  	s7 =	smul.u32 @!p0 $0xF7A, s2;
	p2 =	seq.s32 @!p0 s5, $0x0  }
0x1f: {  	s9 =	smul.u32 $0xF7A, s1;
	s8 =	simm.s32 @!p0 $0x1BF5;
	p2 =	por !p2, p0  }
0x20: {  	[sflag:s8] =	ssyncset.s32 @!p0 $0xFFFFF086;
	s6 =	sadd.s32 @!p0 s3, s7;
	s7 =	simm.s32 @!p0 $0x108  }
0x21: {  	s3 =	sadd.s32 s3, s9;
	s6 =	sadd.s32 @!p0 $0x88, s6;
	s7 =	simm.s32 @p2 $0x1082  }
0x22: {  	[simem:s7], [sflag:s8] =	dma.local @!p0 [hbm:s6], $0xF7A  }
0x23: {  	s9 =	sor.u32 $0xD0000000, s2;
	s6 =	simm.s32 $0x108;
	_ =	swait.ge @!p0 [sflag:s8], $0x0  }
0x24: {  	s3 =	sadd.s32 $0x88, s3;
	s6 =	simm.s32 @!p1 $0x1082;
	[sflag:s4] =	ssyncset.s32 $0xFFFFF086  }
0x25: {  	[simem:s6], [sflag:s4] =	dma.local [hbm:s3], $0xF7A  }
0x26: {  	[smem:$0x3F94] =	sst s1;
	(tag) =	ssettag s2;
	_ =	strace s9  }
0x27: {  	s1 =	sld [smem:$0x3FA4]  }
0x28: {  	s2 =	sld [smem:$0x3FA5]  }
0x29: {  	s4 =	sld [smem:$0x3FA7]  }
0x2a: {  	p0 =	seq.s32 s5, $0x0;
	s5 =	sld [smem:$0x3FA8]  }
0x2b: {  	s6 =	sld [smem:$0x3FA9]  }
0x2c: {  	s7 =	sld [smem:$0x3FAA]  }
0x2d: {  	s3 =	simm.s32 $0x108;
	s8 =	sld [smem:$0x3FAB]  }
0x2e: {  	s3 =	simm.s32 @!p0 $0x1082;
	s9 =	sld [smem:$0x3FAC]  }
0x2f: {  	lr =	sadd.s32 s0, s3;
	s0 =	sld [smem:$0x3FA3]  }
0x30: {  	s3 =	sld [smem:$0x3FA6]  }
0x31: {  	[smem:$0x3FAF] =	sst s10  }
0x32: {  	s10 =	sld [smem:$0x3FAD];
	_ =	sdelay $0x3  }
0x33: {  	p0 =	seq.s32 s10, $0x1;
	s10 =	sld [smem:$0x3FAF];
	_ =	sdelay $0x3  }
0x34: {  	[smem:$0x3FAF] =	sst s10  }
0x35: {  	s10 =	sld [smem:$0x3FAE];
	_ =	sdelay $0x3  }
0x36: {  	p1 =	seq.s32 s10, $0x1;
	s10 =	sld [smem:$0x3FAF];
	_ =	sdelay $0x3  }
0x37: {  	[smem:$0x3FAF] =	sst s10  }
0x38: {  	s10 =	sld [smem:$0x3FB0]  }
0x39: {  	_ = 	snop;
	(pc) =	sbr.ind lr, $3  }
0x3a: {  	_ = 	snop  }
0x3b: {  	_ = 	snop  }
0x3c: {  	p2 =	seq.s32 s10, $0x1;
	s10 =	sld [smem:$0x3FAF]  }
0x3d: {  	_ =	shalt  }
0x3e: {  	_ =	shalt  }
0x3f: {  	_ =	shalt  }
0x40: {  	_ =	shalt  }
0x41: {  	_ =	shalt  }
0x42: {  	_ =	shalt  }
0x43: {  	_ =	shalt  }
0x44: {  	_ =	shalt  }
0x45: {  	_ =	shalt  }
0x46: {  	_ =	shalt  }
0x47: {  	_ =	shalt  }
0x48: {  	_ =	shalt  }
0x49: {  	_ =	shalt  }
0x4a: {  	_ =	shalt  }
0x4b: {  	_ =	shalt  }
0x4c: {  	_ =	shalt  }
0x4d: {  	_ =	shalt  }
0x4e: {  	_ =	shalt  }
0x4f: {  	_ =	shalt  }
0x50: {  	_ =	shalt  }
0x51: {  	_ =	shalt  }
0x52: {  	_ =	shalt  }
0x53: {  	_ =	shalt  }
0x54: {  	_ =	shalt  }
0x55: {  	_ =	shalt  }
0x56: {  	_ =	shalt  }
0x57: {  	_ =	shalt  }
0x58: {  	_ =	shalt  }
0x59: {  	_ =	shalt  }
0x5a: {  	_ =	shalt  }
0x5b: {  	_ =	shalt  }
0x5c: {  	_ =	shalt  }
0x5d: {  	_ =	shalt  }
0x5e: {  	_ =	shalt  }
0x5f: {  	_ =	shalt  }
0x60: {  	_ =	shalt  }
0x61: {  	_ =	shalt  }
0x62: {  	_ =	shalt  }
0x63: {  	_ =	shalt  }
0x64: {  	_ =	shalt  }
0x65: {  	_ =	shalt  }
0x66: {  	_ =	shalt  }
0x67: {  	_ =	shalt  }
0x68: {  	_ =	shalt  }
0x69: {  	_ =	shalt  }
0x6a: {  	_ =	shalt  }
0x6b: {  	_ =	shalt  }
0x6c: {  	_ =	shalt  }
0x6d: {  	_ =	shalt  }
0x6e: {  	_ =	shalt  }
0x6f: {  	_ =	shalt  }
0x70: {  	_ =	shalt  }
0x71: {  	_ =	shalt  }
0x72: {  	_ =	shalt  }
0x73: {  	_ =	shalt  }
0x74: {  	_ =	shalt  }
0x75: {  	_ =	shalt  }
0x76: {  	_ =	shalt  }
0x77: {  	_ =	shalt  }
0x78: {  	_ =	shalt  }
0x79: {  	_ =	shalt  }
0x7a: {  	_ =	shalt  }
0x7b: {  	_ =	shalt  }
0x7c: {  	_ =	shalt  }
0x7d: {  	_ =	shalt  }
0x7e: {  	_ =	shalt  }
0x7f: {  	_ =	shalt  }
0x80: {  	_ =	shalt  }
0x81: {  	_ =	shalt  }
0x82: {  	_ =	shalt  }
0x83: {  	_ =	shalt  }
0x84: {  	_ =	shalt  }
0x85: {  	_ =	shalt  }
0x86: {  	_ =	shalt  }
0x87: {  	_ =	shalt  }
.Lfunc_end0:
.L_simem_size_0:
called_computation_lowered:
.L_overlay_start_0:
0x88: {  	s2 =	sld [smem:$0x3FD9]  }
0x89: {  	s3 =	sld [smem:$0x3FFE];
	_ =	sdelay $0x1  }
0x8a: {  	s1 =	srdreg.scid  }
0x8b: {  	s0 =	sand.u32 $0x1, s1  }
0x8c: {  	s17 =	sshll.u32 s0, $0xA;
	s2 =	sadd.s32 s3, s2  }
0x8d: {  	s2 =	sadd.s32 s2, s17  }
0x8e: {  	[smem:$0x3FBB] =	sst s2  }
0x8f: {  	_ = 	snop  }
0x90: {  	s2 =	sld [smem:$0x3FD0];
	(tm) =	ssettm $0x1  }
0x91: {  	s18 =	sld [smem:$0x3FFB];
	_ =	sdelay $0x3  }
0x92: {  	_ =	strace s18  }
0x93: {  	s3 =	sld [smem:$0x3FFC];
	_ =	sdelay $0x3  }
0x94: {  	_ =	strace s3  }
0x95: {  	s3 =	sld [smem:$0x3FFD];
	_ =	sdelay $0x3  }
0x96: {  	_ =	strace s3  }
0x97: {  	_ =	strace $0x8FFFFFFF  }
0x98: {  	s19 =	sld [smem:$0x3FDB];
	_ =	sdelay $0x1  }
0x99: {  	s4 =	simm.s32 $_scs_section_size  }
0x9a: {  	s5 =	simm.s32 $_size__tile_overlayer_lowered;
	s6 =	simm.s32 $_tile_overlayer_lowered  }
0x9b: {  	s22 =	simm.s32 $0x1BFF;
	s21 =	sshll.u32 s6, $0x1;
	s3 =	sadd.s32 s4, s19  }
0x9c: {  	s7 =	simm.s32 $0x0;
	s20 =	sshll.u32 s5, $0x1;
	s5 =	sadd.s32 s21, s3  }
0x9d: {  	[timem:s7], [sflag:s22] =	dma.local [hbm:s5], s20  }
0x9e: {  	_ =	swait.ge [sflag:s22], s20  }
0x9f: {  	s4 =	ssub.s32 $0x0, s20;
	[sflag:s22] =	ssyncset.done $0x0  }
0xa0: {  	[sflag:s22] =	ssyncadd.s32 s4;
	_ =	sdelay $0x1  }
0xa1: {  	s23 =	simm.s32 $0x1B8B  }
0xa2: {  	_ =	swait.ge [sflag:s23], $0x1  }
0xa3: {  	[sflag:s23] =	ssyncset.done $0x0  }
0xa4: {  	s25 =	simm.s32 $0x1B8E;
	s24 =	sld [smem:$0x3FFE];
	[sflag:s23] =	ssyncadd.s32 $0xFFFFFFFF  }
0xa5: {  	s26 =	simm.s32 $execute0_lowered;
	[smem:$0x3FD2] =	sst s25  }
0xa6: {  	s5 =	sshll.u32 s26, $0x1;
	_ =	strace $0x80000046;
	[dreg:$0x1] =	wrdreg $0xFFFFFFFF  }
0xa7: {  	s28 =	simm.s32 $_size_execute0_lowered;
	s3 =	sadd.s32 s3, s5;
	[dreg:$0x0] =	wrdreg $0x0  }
0xa8: {  	s5 =	sshll.u32 s28, $0x1;
	[dreg:$0x2] =	wrdreg s3  }
0xa9: {  	[dreg:$0x3] =	wrdreg s5  }
0xaa: {  	[dreg:$0x4] =	wrdreg $0xC0  }
0xab: {  	_ =	task [dreg:s7], $0x5FFFF  }
0xac: {  	[dreg:$0x1] =	wrdreg $0xFFFFFFFF  }
0xad: {  	[dreg:$0x0] =	wrdreg $0x60  }
0xae: {  	[dreg:$0x2] =	wrdreg s2  }
0xaf: {  	[dreg:$0x3] =	wrdreg s24  }
0xb0: {  	[dreg:$0x4] =	wrdreg $0xBC000  }
0xb1: {  	[dreg:$0x5] =	wrdreg $0x9  }
0xb2: {  	_ =	task.clear_ibuf [dreg:s7], $0x6FFFF;
	_ =	strace $0x90000046  }
0xb3: {  	s29 =	simm.s32 $0x9;
	_ =	strace $0x80000048  }
0xb4: {  	_ =	swait.ge [sflag:s29], $0x1  }
0xb5: {  	[sflag:s29] =	ssyncadd.s32 $0xFFFFFFFF  }
0xb6: {  	_ =	strace $0x90000048  }
0xb7: {  	_ =	sfence  }
0xb8: {  	s30 =	sld [smem:$0x0];
	_ =	sdelay $0x2  }
0xb9: {  	s31 =	sshll.u32 s1, $0xD;
	s1 =	sshrl.u32 s1, $0x2  }
0xba: {  	s3 =	sand.u32 $0x4000, s31;
	s1 =	sadd.s32 s1, s30  }
0xbb: {  	s0 =	sor.u32 s3, s0;
	s1 =	sshll.u32 s1, $0x11  }
0xbc: {  	s0 =	sor.u32 s1, s0  }
0xbd: {  	s0 =	sadd.s32 $0x8F2B, s0  }
0xbe: {  	[sflag:s0] =	ssyncadd.remote.s32 $0x1  }
0xbf: {  	_ =	sfence.sel $0xFFFF  }
0xc0: {  	[dreg:$0x0] =	wrdreg $0xFFFFFFFF;
	(pc) =	sbr.abs _section_cstart, $3  }
0xc1: {  	[dreg:$0x1] =	wrdreg $0xFFFFFFFF  }
0xc2: {  	_ =	task.clear_ibuf [dreg:s7], $0x2FFFF;
	_ =	strace $0x9FFFFFFF  }
0xc3: {  	(tm) =	ssettm $0x7FFFFFFF  }
tec
execute0_lowered:
.L_overlay_start_1:
0x0: {  	(tag) =	ssettag $0x1  }
0x1: {  	s0 =	stileid.u32  }
0x2: {  	s1 =	rddreg [dreg:$0x0];
	s8 =	smul.u32 $0x2780, s0  }
0x3: {  	s7 =	rddreg [dreg:$0x1];
	s11 =	smul.u32 $0x14E, s0  }
0x4: {  	s3 =	rddreg [dreg:$0x2];
	s13 =	smul.u32 $0x4F000, s0  }
0x5: {  	s5 =	srdreg.scid;
	s4 =	simm.s32 $0x0;
	s16 =	smul.u32 $0x300, s0  }
0x6: {  	s20 =	simm.s32 $0x78;
	s12 =	sand.u32 $0x1, s5;
	s19 =	smul.u32 $0xA700, s0  }
0x7: {  	s28 =	simm.s32 $0x0;
	[smem:$0x7FF] =	sst s4;
	s9 =	smul.u32 $0x27800, s12  }
0x8: {  	s5 =	sadd.s32 $0x4400, s7;
	s6 =	sadd.s32 $0x2E000, s7;
	s10 =	smul.u32 $0x14E0, s12  }
0x9: {  	_ =	strace $0x80000047;
	s22 =	ssub.s32 $0x2, s12;
	s12 =	smul.u32 $0xA7000, s12  }
0xa: {  	s14 =	sshrl.u32 s22, $0x1;
	s24 =	sshrl.u32 s13, $0x2;
	s25 =	sand.u32 $0x300, s16  }
0xb: {  	s30 =	sadd.s32 $0x2, s11;
	s8 =	sadd.s32 s8, s9;
	s15 =	sadd.s32 s11, s10  }
0xc: {  	s14 =	ssub.s32 s22, s14;
	s26 =	sadd.s32 s24, s3;
	s31 =	sadd.s32 s10, s30  }
0xd: {  	s13 =	sshll.u32 s30, $0x4;
	s11 =	sadd.s32 $0x4, s11;
	s22 =	simm.s32 $0x2  }
0xe: {  	s24 =	simm.s32 $0xC;
	s17 =	sadd.s32 s8, s7;
	s23 =	sshll.u32 s15, $0x7  }
0xf: {  	s15 =	sshll.u32 s31, $0x4;
	s13 =	sand.u32 $0x60, s13;
	s10 =	sadd.s32 s10, s11  }
0x10: {  	s11 =	sshll.u32 s11, $0x4;
	s14 =	smax.u32 s14, $0x1;
	s16 =	sshrl.u32 s26, $0x3  }
0x11: {  	s26 =	simm.s32 $0xF;
	s7 =	sand.u32 $0x1FFC00, s23;
	s15 =	sand.u32 $0x7FF80, s15  }
0x12: {  	s13 =	sadd.s32 s5, s13;
	s10 =	sshll.u32 s10, $0x4;
	s11 =	sand.u32 $0x60, s11  }
.Ltmp0:
0x13: {  	s29 =	sor.u32 s25, s7;
	s7 =	sshll.u32 s0, $0x6;
	(pc) =	sbr.rel .LBB2_1-.Ltmp0, $4  }
0x14: {  	s18 =	sand.u32 $0x7FF80, s10;
	s11 =	sadd.s32 s5, s11;
	s10 =	sadd.s32 s15, s13  }
0x15: {  	s13 =	sadd.s32 $0x30800, s17;
	s15 =	sadd.s32 $0x300, s19;
	s17 =	simm.s32 $0x100  }
0x16: {  	s19 =	simm.s32 $0x1;
	s25 =	simm.s32 $0xD;
	s9 =	sshrl.u32 s29, $0x3  }
0x17: {  	s8 =	sor.u32 $0x1C0C, s7;
	s11 =	sadd.s32 s18, s11;
	s9 =	sadd.s32 s5, s9  }
.LBB2_7:
0x18: {  	_ =	swait.ge [sflag:s25], $0x3C00  }
0x19: {  	s28 =	sadd.s32 $0x1, s28;
	[sflag:s25] =	ssyncset.done $0x0  }
0x1a: {  	p0 =	sne.s32 s28, s14;
	[sflag:s25] =	ssyncadd.s32 $0xFFFFC400  }
.Ltmp1:
0x1b: {  	s0 =	sor.u32 $0x1C0F, s7;
	[bflag:$0x0] =	sbarrier.arrive $0xFFFF;
	(pc) =	sbr.rel @!p0 .LBB2_8-.Ltmp1, $4  }
0x1c: {  	[hbm:s13], [sflag:s0] =	dma.local [spmem:s16], $0x2780  }
0x1d: {  	_ =	swait.ge [sflag:s26], $0x2780  }
0x1e: {  	[sflag:s26] =	ssyncset.done $0x0  }
0x1f: {  	[sflag:s26] =	ssyncadd.s32 $0xFFFFD880  }
.LBB2_1:
0x20: {  	[spmem:s16], [sflag:s8] =	dma.local [hbm:s6], $0x2780  }
0x21: {  	[tilespmem:s4], [sflag:$0x1] =	stream.linear.gather [hbm4b:s9+s4], $0x100, $0x38;
	[tilespmem:$0x1F800] =	vst v63  }
0x22: {  	_ = 	snop  }
0x23: {  	[tilespmem:s17], [sflag:$0x2] =	stream.linear.gather [hbm4b:s10+s4], $0x100, $0x38;
	[tilespmem:$0x1F800] =	vst v63  }
0x24: {  	s0 =	simm.s32 $0x200  }
0x25: {  	[tilespmem:s0], [sflag:$0x3] =	stream.linear.gather [hbm4b:s11+s4], $0x100, $0x38;
	[tilespmem:$0x1F800] =	vst v63  }
0x26: {  	_ =	swait.ge [sflag:s19], $0x100  }
0x27: {  	[sflag:s19] =	ssyncset.done $0x0  }
0x28: {  	s21 =	simm.s32 $0x800;
	[sflag:s19] =	ssyncadd.s32 $0xFFFFFF00  }
0x29: {  	[tilespmem:s21], [sflag:$0x9] =	stream.indirect.gather [hbm4b:s1+s20], $0x80, s4, s20, $0xb8;
	[tilespmem:$0x1F800] =	vst v63  }
0x2a: {  	_ =	swait.ge [sflag:s22], $0x100  }
0x2b: {  	[sflag:s22] =	ssyncset.done $0x0  }
0x2c: {  	s23 =	simm.s32 $0x4400;
	[sflag:s22] =	ssyncadd.s32 $0xFFFFFF00  }
0x2d: {  	[tilespmem:s23], [sflag:$0xA] =	stream.indirect.gather [hbm4b:s1+s20], $0x80, s17, s20, $0xb8;
	[tilespmem:$0x1F800] =	vst v63  }
.Ltmp2:
0x2e: {  	_ =	swait.ge [sflag:s24], $0x2780;
	(pc) =	sbr.rel .LBB2_2-.Ltmp2, $4  }
0x2f: {  	[sflag:s24] =	ssyncset.done $0x0  }
0x30: {  	[sflag:s24] =	ssyncadd.s32 $0xFFFFD880  }
0x31: {  	[bflag:$0x0] =	sbarrier.arrive $0xFFFF  }
0x32: {  	s29 =	simm.s32 $0x0;
	s30 =	smov.u32 s15;
	s31 =	simm.s32 $0x0  }
.LBB2_3:
0x33: {  	s0 =	sadd.s32 s30, s12  }
0x34: {  	s2 =	sand.u32 $0x300, s30;
	s0 =	sand.u32 $0x3FFC00, s0  }
0x35: {  	s18 =	sadd.s32 $0x3, s31;
	s0 =	sor.u32 s2, s0  }
0x36: {  	s23 =	sand.u32 $0x7, s18;
	s0 =	sshrl.u32 s0, $0x3  }
0x37: {  	s18 =	sshll.u32 s23, $0x8;
	s2 =	sadd.s32 $0x1, s23;
	s0 =	sadd.s32 s5, s0  }
0x38: {  	[tilespmem:s18], [sflag:s2] =	stream.linear.gather [hbm4b:s0+s4], $0x100, $0x38;
	[tilespmem:$0x1F800] =	vst v63  }
.LBB2_5:
0x39: {  	s0 =	sadd.s32 $0x2, s31  }
0x3a: {  	s2 =	sand.u32 $0xFF, s0  }
0x3b: {  	s2 =	smul.u32 $0xAB, s2;
	_ =	sdelay $0x1  }
0x3c: {  	s2 =	sshrl.u32 s2, $0x9  }
0x3d: {  	s2 =	smul.u32 $0x3, s2;
	_ =	sdelay $0x1  }
0x3e: {  	s2 =	ssub.s32 s0, s2  }
0x3f: {  	s0 =	sand.u32 $0x7, s0;
	s2 =	sand.u32 $0xFF, s2  }
0x40: {  	s18 =	sadd.s32 $0x1, s0;
	s21 =	smul.u32 $0xF000, s2  }
0x41: {  	_ =	swait.ge [sflag:s18], $0x100  }
0x42: {  	s0 =	sshll.u32 s0, $0x8;
	[sflag:s18] =	ssyncset.done $0x0;
	s23 =	sshrl.u32 s21, $0x2  }
0x43: {  	s2 =	sadd.s32 $0x9, s2;
	[sflag:s18] =	ssyncadd.s32 $0xFFFFFF00;
	s18 =	sadd.s32 $0x800, s23  }
0x44: {  	[tilespmem:s18], [sflag:s2] =	stream.indirect.gather [hbm4b:s1+s20], $0x80, s0, s20, $0xb8;
	[tilespmem:$0x1F800] =	vst v63  }
.LBB2_6:
0x45: {  	s31 =	sadd.s32 $0x1, s31  }
0x46: {  	p0 =	sne.s32 s31, $0xA7  }
.Ltmp3:
0x47: {  	_ = 	snop;
	(pc) =	sbr.rel @!p0 .LBB2_7-.Ltmp3, $2  }
0x48: {  	_ =	sdelay $0x2  }
0x49: {  	s30 =	sadd.s32 $0x100, s30;
	s29 =	sadd.s32 $0x400, s29  }
.LBB2_2:
0x4a: {  	s0 =	smul.u32 $0xAB, s31;
	_ =	sdelay $0x1  }
0x4b: {  	s0 =	sshrl.u32 s0, $0x9  }
0x4c: {  	s0 =	sand.u32 $0x7F, s0  }
0x4d: {  	s0 =	smul.u32 $0x3, s0;
	_ =	sdelay $0x1  }
0x4e: {  	p0 =	seq.s32 s31, $0x0;
	s0 =	ssub.s32 s31, s0  }
0x4f: {  	s18 =	sadd.s32 @!p0 $0xFFFFFFFF, s31;
	s0 =	sand.u32 $0xFF, s0  }
0x50: {  	s23 =	sand.u32 @!p0 $0xFF, s18;
	s2 =	sadd.s32 $0x9, s0  }
0x51: {  	s23 =	smul.u32 @!p0 $0xAB, s23;
	_ =	swait.ge [sflag:s2], $0x3C00  }
0x52: {  	p1 =	sgt.u32 @!p0 s31, $0xA3;
	s21 =	smul.u32 $0xF000, s0;
	[sflag:s2] =	ssyncset.done $0x0  }
0x53: {  	s23 =	sshrl.u32 @!p0 s23, $0x9;
	[sflag:s2] =	ssyncadd.s32 $0xFFFFC400;
	s2 =	sand.u32 $0x1C00, s29  }
0x54: {  	s23 =	smul.u32 @!p0 $0x3, s23;
	s21 =	sshrl.u32 s21, $0x2;
	s2 =	sshrl.u32 s2, $0x2  }
0x55: {  	s0 =	sor.u32 $0xC, s0;
	s21 =	sadd.s32 $0x800, s21;
	s2 =	sor.u32 $0x80, s2  }
0x56: {  	[spmem:s3] =	stream.indirect.scatter.add.f32 [tilespmem:s21], [sflag:s0], $0x80, s2, s20, $0xb8;
	[tilespmem:$0x1F800] =	vst v63  }
0x57: {  	p1 =	por p0, !p1;
	s0 =	ssub.s32 @!p0 s18, s23  }
.Ltmp4:
0x58: {  	s0 =	sor.u32 @!p0 $0xC, s0;
	(pc) =	sbr.rel @p1 .LBB2_3-.Ltmp4, $4  }
0x59: {  	s0 =	sand.u32 @!p0 $0xFF, s0  }
0x5a: {  	_ =	swait.ge @!p0 [sflag:s0], $0x3C00  }
0x5b: {  	[sflag:s0] =	ssyncset.done @!p0 $0x0  }
0x5c: {  	[sflag:s0] =	ssyncadd.s32 @!p0 $0xFFFFC400  }
0x5d: {  	p0 =	sne.s32 s31, $0xA4  }
.Ltmp5:
0x5e: {  	_ = 	snop;
	(pc) =	sbr.rel @p0 .LBB2_6-.Ltmp5, $4  }
.Ltmp6:
0x5f: {  	_ = 	snop;
	(pc) =	sbr.rel @!p0 .LBB2_5-.Ltmp6, $4  }
0x60: {  	_ = 	snop  }
0x61: {  	_ = 	snop  }
0x62: {  	_ = 	snop  }
0x63: {  	_ = 	snop  }
.LBB2_8:
0x64: {  	_ =	sfence.sel $0x180000  }
0x65: {  	[bflag:$0x0] =	sbarrier.arrive $0xFFFF  }
0x66: {  	_ =	strace $0x90000047  }
0x67: {  	s0 =	stileid.u32;
	[bflag:$0x2] =	sbarrier.arrive $0xFFFF  }
0x68: {  	p0 =	sne.s32 s0, $0x0;
	s0 =	rddreg [dreg:$0x3]  }
0x69: {  	s0 =	sadd.s32 @!p0 $0x100000, s0  }
0x6a: {  	[sflag:s0] =	ssyncadd.tile.s32 @!p0 $0x1;
	_ =	shalt  }
.Lfunc_end2:
_tile_overlayer_lowered:
.L_overlay_start_2:
0x6b: {  	(tag) =	ssettag $0x2  }
0x6c: {  	s0 =	rddreg [dreg:$0x0];
	s2 =	stileid.u32  }
0x6d: {  	s1 =	rddreg [dreg:$0x1];
	p0 =	sne.s32 s2, $0x0  }
0x6e: {  	s3 =	rddreg [dreg:$0x2];
	[bflag:$0x3] =	sbarrier.arrive $0xFFFF;
	s2 =	simm.s32 @!p0 $0x1C0F  }
0x6f: {  	[timem:s3], [sflag:s2] =	dma.local @!p0 [hbm:s0], s1  }
0x70: {  	s0 =	simm.s32 @!p0 $0xF  }
0x71: {  	_ =	swait.ge @!p0 [sflag:s0], s1  }
0x72: {  	s1 =	ssub.s32 @!p0 $0x0, s1;
	[sflag:s0] =	ssyncset.done @!p0 $0x0  }
0x73: {  	[sflag:s0] =	ssyncadd.s32 @!p0 s1  }
0x74: {  	[bflag:$0x3] =	sbarrier.arrive $0xFFFF  }
0x75: {  	_ =	shalt  }

// kernel: kernel.15.cloned.1.call-start
scs
__scs_entry_jumppad:
0x0: {  	(pc) =	sbr.rel $0x88, $3  }
0x1: {  	(tag) =	ssettag $0x0;
	lr =	simm.s32 $0x1  }
0x2: {  	[smem:$0x3F94] =	sst lr;
	_ =	strace $0xD0000000  }
0x3: {  	_ = 	snop  }
0x4: {  	_ = 	snop  }
0x5: {  	_ = 	snop  }
0x6: {  	_ = 	snop  }
0x7: {  	_ = 	snop  }
__scs_overlays_trampoline_lowered:
0x8: {  	[smem:$0x3FA3] =	sst s0  }
0x9: {  	[smem:$0x3FA4] =	sst s1  }
0xa: {  	[smem:$0x3FA5] =	sst s2  }
0xb: {  	[smem:$0x3FA6] =	sst s3  }
0xc: {  	[smem:$0x3FA7] =	sst s4  }
0xd: {  	[smem:$0x3FA8] =	sst s5  }
0xe: {  	[smem:$0x3FA9] =	sst s6  }
0xf: {  	[smem:$0x3FAA] =	sst s7  }
0x10: {  	[smem:$0x3FAB] =	sst s8  }
0x11: {  	[smem:$0x3FAC] =	sst s9;
	s0 =	simm.s32 @!p0 $0x0  }
0x12: {  	s1 =	sld [smem:$0x3F92];
	s0 =	simm.s32 @p0 $0x1  }
0x13: {  	[smem:$0x3FAD] =	sst s0;
	s0 =	simm.s32 @!p1 $0x0  }
0x14: {  	s2 =	sld [smem:$0x3F91];
	s0 =	simm.s32 @p1 $0x1  }
0x15: {  	[smem:$0x3FAE] =	sst s0;
	s0 =	simm.s32 @!p2 $0x0  }
0x16: {  	s3 =	sld [smem:$0x3FDB];
	s0 =	simm.s32 @p2 $0x1  }
0x17: {  	s4 =	simm.s32 $0x1BF5;
	[smem:$0x3FB0] =	sst s0  }
0x18: {  	s0 =	sld [smem:$0x3F93];
	_ =	swait.ge [sflag:s4], $0x0  }
0x19: {  	s7 =	sld [smem:$0x3F94]  }
0x1a: {  	s8 =	sadd.s32 $0xFFFFE003, lr  }
0x1b: {  	s9 =	sadd.s32 $0xFFFFFEF7, lr;
	s5 =	simm.s32 $0xFFFFFFFF;
	p2 =	slt.u32 s8, $0xFFFFF086  }
0x1c: {  	p1 =	slt.u32 s9, $0xF7A;
	s5 =	simm.s32 @!p2 $0x0  }
0x1d: {  	s5 =	simm.s32 @p1 $0x1;
	p0 =	seq.s32 s7, s2  }
0x1e: {  	s7 =	smul.u32 @!p0 $0xF7A, s2;
	p2 =	seq.s32 @!p0 s5, $0x0  }
0x1f: {  	s9 =	smul.u32 $0xF7A, s1;
	s8 =	simm.s32 @!p0 $0x1BF5;
	p2 =	por !p2, p0  }
0x20: {  	[sflag:s8] =	ssyncset.s32 @!p0 $0xFFFFF086;
	s6 =	sadd.s32 @!p0 s3, s7;
	s7 =	simm.s32 @!p0 $0x108  }
0x21: {  	s3 =	sadd.s32 s3, s9;
	s6 =	sadd.s32 @!p0 $0x88, s6;
	s7 =	simm.s32 @p2 $0x1082  }
0x22: {  	[simem:s7], [sflag:s8] =	dma.local @!p0 [hbm:s6], $0xF7A  }
0x23: {  	s9 =	sor.u32 $0xD0000000, s2;
	s6 =	simm.s32 $0x108;
	_ =	swait.ge @!p0 [sflag:s8], $0x0  }
0x24: {  	s3 =	sadd.s32 $0x88, s3;
	s6 =	simm.s32 @!p1 $0x1082;
	[sflag:s4] =	ssyncset.s32 $0xFFFFF086  }
0x25: {  	[simem:s6], [sflag:s4] =	dma.local [hbm:s3], $0xF7A  }
0x26: {  	[smem:$0x3F94] =	sst s1;
	(tag) =	ssettag s2;
	_ =	strace s9  }
0x27: {  	s1 =	sld [smem:$0x3FA4]  }
0x28: {  	s2 =	sld [smem:$0x3FA5]  }
0x29: {  	s4 =	sld [smem:$0x3FA7]  }
0x2a: {  	p0 =	seq.s32 s5, $0x0;
	s5 =	sld [smem:$0x3FA8]  }
0x2b: {  	s6 =	sld [smem:$0x3FA9]  }
0x2c: {  	s7 =	sld [smem:$0x3FAA]  }
0x2d: {  	s3 =	simm.s32 $0x108;
	s8 =	sld [smem:$0x3FAB]  }
0x2e: {  	s3 =	simm.s32 @!p0 $0x1082;
	s9 =	sld [smem:$0x3FAC]  }
0x2f: {  	lr =	sadd.s32 s0, s3;
	s0 =	sld [smem:$0x3FA3]  }
0x30: {  	s3 =	sld [smem:$0x3FA6]  }
0x31: {  	[smem:$0x3FAF] =	sst s10  }
0x32: {  	s10 =	sld [smem:$0x3FAD];
	_ =	sdelay $0x3  }
0x33: {  	p0 =	seq.s32 s10, $0x1;
	s10 =	sld [smem:$0x3FAF];
	_ =	sdelay $0x3  }
0x34: {  	[smem:$0x3FAF] =	sst s10  }
0x35: {  	s10 =	sld [smem:$0x3FAE];
	_ =	sdelay $0x3  }
0x36: {  	p1 =	seq.s32 s10, $0x1;
	s10 =	sld [smem:$0x3FAF];
	_ =	sdelay $0x3  }
0x37: {  	[smem:$0x3FAF] =	sst s10  }
0x38: {  	s10 =	sld [smem:$0x3FB0]  }
0x39: {  	_ = 	snop;
	(pc) =	sbr.ind lr, $3  }
0x3a: {  	_ = 	snop  }
0x3b: {  	_ = 	snop  }
0x3c: {  	p2 =	seq.s32 s10, $0x1;
	s10 =	sld [smem:$0x3FAF]  }
0x3d: {  	_ =	shalt  }
0x3e: {  	_ =	shalt  }
0x3f: {  	_ =	shalt  }
0x40: {  	_ =	shalt  }
0x41: {  	_ =	shalt  }
0x42: {  	_ =	shalt  }
0x43: {  	_ =	shalt  }
0x44: {  	_ =	shalt  }
0x45: {  	_ =	shalt  }
0x46: {  	_ =	shalt  }
0x47: {  	_ =	shalt  }
0x48: {  	_ =	shalt  }
0x49: {  	_ =	shalt  }
0x4a: {  	_ =	shalt  }
0x4b: {  	_ =	shalt  }
0x4c: {  	_ =	shalt  }
0x4d: {  	_ =	shalt  }
0x4e: {  	_ =	shalt  }
0x4f: {  	_ =	shalt  }
0x50: {  	_ =	shalt  }
0x51: {  	_ =	shalt  }
0x52: {  	_ =	shalt  }
0x53: {  	_ =	shalt  }
0x54: {  	_ =	shalt  }
0x55: {  	_ =	shalt  }
0x56: {  	_ =	shalt  }
0x57: {  	_ =	shalt  }
0x58: {  	_ =	shalt  }
0x59: {  	_ =	shalt  }
0x5a: {  	_ =	shalt  }
0x5b: {  	_ =	shalt  }
0x5c: {  	_ =	shalt  }
0x5d: {  	_ =	shalt  }
0x5e: {  	_ =	shalt  }
0x5f: {  	_ =	shalt  }
0x60: {  	_ =	shalt  }
0x61: {  	_ =	shalt  }
0x62: {  	_ =	shalt  }
0x63: {  	_ =	shalt  }
0x64: {  	_ =	shalt  }
0x65: {  	_ =	shalt  }
0x66: {  	_ =	shalt  }
0x67: {  	_ =	shalt  }
0x68: {  	_ =	shalt  }
0x69: {  	_ =	shalt  }
0x6a: {  	_ =	shalt  }
0x6b: {  	_ =	shalt  }
0x6c: {  	_ =	shalt  }
0x6d: {  	_ =	shalt  }
0x6e: {  	_ =	shalt  }
0x6f: {  	_ =	shalt  }
0x70: {  	_ =	shalt  }
0x71: {  	_ =	shalt  }
0x72: {  	_ =	shalt  }
0x73: {  	_ =	shalt  }
0x74: {  	_ =	shalt  }
0x75: {  	_ =	shalt  }
0x76: {  	_ =	shalt  }
0x77: {  	_ =	shalt  }
0x78: {  	_ =	shalt  }
0x79: {  	_ =	shalt  }
0x7a: {  	_ =	shalt  }
0x7b: {  	_ =	shalt  }
0x7c: {  	_ =	shalt  }
0x7d: {  	_ =	shalt  }
0x7e: {  	_ =	shalt  }
0x7f: {  	_ =	shalt  }
0x80: {  	_ =	shalt  }
0x81: {  	_ =	shalt  }
0x82: {  	_ =	shalt  }
0x83: {  	_ =	shalt  }
0x84: {  	_ =	shalt  }
0x85: {  	_ =	shalt  }
0x86: {  	_ =	shalt  }
0x87: {  	_ =	shalt  }
.Lfunc_end0:
.L_simem_size_0:
called_computation.1_lowered:
.L_overlay_start_0:
0x88: {  	s2 =	sld [smem:$0x3FD9]  }
0x89: {  	s3 =	sld [smem:$0x3FFE];
	_ =	sdelay $0x1  }
0x8a: {  	s1 =	srdreg.scid  }
0x8b: {  	s0 =	sand.u32 $0x1, s1  }
0x8c: {  	s17 =	sshll.u32 s0, $0xA;
	s2 =	sadd.s32 s3, s2  }
0x8d: {  	s2 =	sadd.s32 s2, s17  }
0x8e: {  	[smem:$0x3FBB] =	sst s2  }
0x8f: {  	_ = 	snop  }
0x90: {  	s2 =	sld [smem:$0x3FD0];
	(tm) =	ssettm $0x1  }
0x91: {  	s18 =	sld [smem:$0x3FFB];
	_ =	sdelay $0x3  }
0x92: {  	_ =	strace s18  }
0x93: {  	s3 =	sld [smem:$0x3FFC];
	_ =	sdelay $0x3  }
0x94: {  	_ =	strace s3  }
0x95: {  	s3 =	sld [smem:$0x3FFD];
	_ =	sdelay $0x3  }
0x96: {  	_ =	strace s3  }
0x97: {  	_ =	strace $0x8FFFFFFF  }
0x98: {  	s19 =	sld [smem:$0x3FDB];
	_ =	sdelay $0x1  }
0x99: {  	s4 =	simm.s32 $_scs_section_size  }
0x9a: {  	s5 =	simm.s32 $_size__tile_overlayer_lowered;
	s6 =	simm.s32 $_tile_overlayer_lowered  }
0x9b: {  	s22 =	simm.s32 $0x1BFF;
	s21 =	sshll.u32 s6, $0x1;
	s3 =	sadd.s32 s4, s19  }
0x9c: {  	s7 =	simm.s32 $0x0;
	s20 =	sshll.u32 s5, $0x1;
	s5 =	sadd.s32 s21, s3  }
0x9d: {  	[timem:s7], [sflag:s22] =	dma.local [hbm:s5], s20  }
0x9e: {  	_ =	swait.ge [sflag:s22], s20  }
0x9f: {  	s4 =	ssub.s32 $0x0, s20;
	[sflag:s22] =	ssyncset.done $0x0  }
0xa0: {  	[sflag:s22] =	ssyncadd.s32 s4;
	_ =	sdelay $0x1  }
0xa1: {  	s23 =	simm.s32 $0x1B8B  }
0xa2: {  	_ =	swait.ge [sflag:s23], $0x1  }
0xa3: {  	[sflag:s23] =	ssyncset.done $0x0  }
0xa4: {  	s25 =	simm.s32 $0x1B8E;
	s24 =	sld [smem:$0x3FFE];
	[sflag:s23] =	ssyncadd.s32 $0xFFFFFFFF  }
0xa5: {  	s26 =	simm.s32 $execute0_lowered;
	[smem:$0x3FD2] =	sst s25  }
0xa6: {  	s5 =	sshll.u32 s26, $0x1;
	_ =	strace $0x80000049;
	[dreg:$0x1] =	wrdreg $0xFFFFFFFF  }
0xa7: {  	s28 =	simm.s32 $_size_execute0_lowered;
	s3 =	sadd.s32 s3, s5;
	[dreg:$0x0] =	wrdreg $0x0  }
0xa8: {  	s5 =	sshll.u32 s28, $0x1;
	[dreg:$0x2] =	wrdreg s3  }
0xa9: {  	[dreg:$0x3] =	wrdreg s5  }
0xaa: {  	[dreg:$0x4] =	wrdreg $0xC0  }
0xab: {  	_ =	task [dreg:s7], $0x5FFFF  }
0xac: {  	[dreg:$0x1] =	wrdreg $0xFFFFFFFF  }
0xad: {  	[dreg:$0x0] =	wrdreg $0x60  }
0xae: {  	[dreg:$0x2] =	wrdreg s2  }
0xaf: {  	[dreg:$0x3] =	wrdreg s24  }
0xb0: {  	[dreg:$0x4] =	wrdreg $0xBC000  }
0xb1: {  	[dreg:$0x5] =	wrdreg $0x9  }
0xb2: {  	_ =	task.clear_ibuf [dreg:s7], $0x6FFFF;
	_ =	strace $0x90000049  }
0xb3: {  	s29 =	simm.s32 $0x9;
	_ =	strace $0x8000004B  }
0xb4: {  	_ =	swait.ge [sflag:s29], $0x1  }
0xb5: {  	[sflag:s29] =	ssyncadd.s32 $0xFFFFFFFF  }
0xb6: {  	_ =	strace $0x9000004B  }
0xb7: {  	_ =	sfence  }
0xb8: {  	s30 =	sld [smem:$0x0];
	_ =	sdelay $0x2  }
0xb9: {  	s31 =	sshll.u32 s1, $0xD;
	s1 =	sshrl.u32 s1, $0x2  }
0xba: {  	s3 =	sand.u32 $0x4000, s31;
	s1 =	sadd.s32 s1, s30  }
0xbb: {  	s0 =	sor.u32 s3, s0;
	s1 =	sshll.u32 s1, $0x11  }
0xbc: {  	s0 =	sor.u32 s1, s0  }
0xbd: {  	s0 =	sadd.s32 $0x8F2B, s0  }
0xbe: {  	[sflag:s0] =	ssyncadd.remote.s32 $0x1  }
0xbf: {  	_ =	sfence.sel $0xFFFF  }
0xc0: {  	[dreg:$0x0] =	wrdreg $0xFFFFFFFF;
	(pc) =	sbr.abs _section_cstart, $3  }
0xc1: {  	[dreg:$0x1] =	wrdreg $0xFFFFFFFF  }
0xc2: {  	_ =	task.clear_ibuf [dreg:s7], $0x2FFFF;
	_ =	strace $0x9FFFFFFF  }
0xc3: {  	(tm) =	ssettm $0x7FFFFFFF  }
tec
execute0_lowered:
.L_overlay_start_1:
0x0: {  	(tag) =	ssettag $0x1  }
0x1: {  	s0 =	stileid.u32  }
0x2: {  	s1 =	rddreg [dreg:$0x0];
	s8 =	smul.u32 $0x2780, s0  }
0x3: {  	s7 =	rddreg [dreg:$0x1];
	s11 =	smul.u32 $0x14E, s0  }
0x4: {  	s3 =	rddreg [dreg:$0x2];
	s13 =	smul.u32 $0x4F000, s0  }
0x5: {  	s5 =	srdreg.scid;
	s4 =	simm.s32 $0x0;
	s16 =	smul.u32 $0x300, s0  }
0x6: {  	s20 =	simm.s32 $0x78;
	s12 =	sand.u32 $0x1, s5;
	s19 =	smul.u32 $0xA700, s0  }
0x7: {  	s28 =	simm.s32 $0x0;
	[smem:$0x7FF] =	sst s4;
	s9 =	smul.u32 $0x27800, s12  }
0x8: {  	s5 =	sadd.s32 $0x4400, s7;
	s6 =	sadd.s32 $0x2E000, s7;
	s10 =	smul.u32 $0x14E0, s12  }
0x9: {  	_ =	strace $0x8000004A;
	s22 =	ssub.s32 $0x2, s12;
	s12 =	smul.u32 $0xA7000, s12  }
0xa: {  	s14 =	sshrl.u32 s22, $0x1;
	s24 =	sshrl.u32 s13, $0x2;
	s25 =	sand.u32 $0x300, s16  }
0xb: {  	s30 =	sadd.s32 $0x2, s11;
	s8 =	sadd.s32 s8, s9;
	s15 =	sadd.s32 s11, s10  }
0xc: {  	s14 =	ssub.s32 s22, s14;
	s26 =	sadd.s32 s24, s3;
	s31 =	sadd.s32 s10, s30  }
0xd: {  	s13 =	sshll.u32 s30, $0x4;
	s11 =	sadd.s32 $0x4, s11;
	s22 =	simm.s32 $0x2  }
0xe: {  	s24 =	simm.s32 $0xC;
	s17 =	sadd.s32 s8, s7;
	s23 =	sshll.u32 s15, $0x7  }
0xf: {  	s15 =	sshll.u32 s31, $0x4;
	s13 =	sand.u32 $0x60, s13;
	s10 =	sadd.s32 s10, s11  }
0x10: {  	s11 =	sshll.u32 s11, $0x4;
	s14 =	smax.u32 s14, $0x1;
	s16 =	sshrl.u32 s26, $0x3  }
0x11: {  	s26 =	simm.s32 $0xF;
	s7 =	sand.u32 $0x1FFC00, s23;
	s15 =	sand.u32 $0x7FF80, s15  }
0x12: {  	s13 =	sadd.s32 s5, s13;
	s10 =	sshll.u32 s10, $0x4;
	s11 =	sand.u32 $0x60, s11  }
.Ltmp0:
0x13: {  	s29 =	sor.u32 s25, s7;
	s7 =	sshll.u32 s0, $0x6;
	(pc) =	sbr.rel .LBB2_1-.Ltmp0, $4  }
0x14: {  	s18 =	sand.u32 $0x7FF80, s10;
	s11 =	sadd.s32 s5, s11;
	s10 =	sadd.s32 s15, s13  }
0x15: {  	s13 =	sadd.s32 $0x30800, s17;
	s15 =	sadd.s32 $0x300, s19;
	s17 =	simm.s32 $0x100  }
0x16: {  	s19 =	simm.s32 $0x1;
	s25 =	simm.s32 $0xD;
	s9 =	sshrl.u32 s29, $0x3  }
0x17: {  	s8 =	sor.u32 $0x1C0C, s7;
	s11 =	sadd.s32 s18, s11;
	s9 =	sadd.s32 s5, s9  }
.LBB2_7:
0x18: {  	_ =	swait.ge [sflag:s25], $0x3C00  }
0x19: {  	s28 =	sadd.s32 $0x1, s28;
	[sflag:s25] =	ssyncset.done $0x0  }
0x1a: {  	p0 =	sne.s32 s28, s14;
	[sflag:s25] =	ssyncadd.s32 $0xFFFFC400  }
.Ltmp1:
0x1b: {  	s0 =	sor.u32 $0x1C0F, s7;
	[bflag:$0x0] =	sbarrier.arrive $0xFFFF;
	(pc) =	sbr.rel @!p0 .LBB2_8-.Ltmp1, $4  }
0x1c: {  	[hbm:s13], [sflag:s0] =	dma.local [spmem:s16], $0x2780  }
0x1d: {  	_ =	swait.ge [sflag:s26], $0x2780  }
0x1e: {  	[sflag:s26] =	ssyncset.done $0x0  }
0x1f: {  	[sflag:s26] =	ssyncadd.s32 $0xFFFFD880  }
.LBB2_1:
0x20: {  	[spmem:s16], [sflag:s8] =	dma.local [hbm:s6], $0x2780  }
0x21: {  	[tilespmem:s4], [sflag:$0x1] =	stream.linear.gather [hbm4b:s9+s4], $0x100, $0x38;
	[tilespmem:$0x1F800] =	vst v63  }
0x22: {  	_ = 	snop  }
0x23: {  	[tilespmem:s17], [sflag:$0x2] =	stream.linear.gather [hbm4b:s10+s4], $0x100, $0x38;
	[tilespmem:$0x1F800] =	vst v63  }
0x24: {  	s0 =	simm.s32 $0x200  }
0x25: {  	[tilespmem:s0], [sflag:$0x3] =	stream.linear.gather [hbm4b:s11+s4], $0x100, $0x38;
	[tilespmem:$0x1F800] =	vst v63  }
0x26: {  	_ =	swait.ge [sflag:s19], $0x100  }
0x27: {  	[sflag:s19] =	ssyncset.done $0x0  }
0x28: {  	s21 =	simm.s32 $0x800;
	[sflag:s19] =	ssyncadd.s32 $0xFFFFFF00  }
0x29: {  	[tilespmem:s21], [sflag:$0x9] =	stream.indirect.gather [hbm4b:s1+s20], $0x80, s4, s20, $0xb8;
	[tilespmem:$0x1F800] =	vst v63  }
0x2a: {  	_ =	swait.ge [sflag:s22], $0x100  }
0x2b: {  	[sflag:s22] =	ssyncset.done $0x0  }
0x2c: {  	s23 =	simm.s32 $0x4400;
	[sflag:s22] =	ssyncadd.s32 $0xFFFFFF00  }
0x2d: {  	[tilespmem:s23], [sflag:$0xA] =	stream.indirect.gather [hbm4b:s1+s20], $0x80, s17, s20, $0xb8;
	[tilespmem:$0x1F800] =	vst v63  }
.Ltmp2:
0x2e: {  	_ =	swait.ge [sflag:s24], $0x2780;
	(pc) =	sbr.rel .LBB2_2-.Ltmp2, $4  }
0x2f: {  	[sflag:s24] =	ssyncset.done $0x0  }
0x30: {  	[sflag:s24] =	ssyncadd.s32 $0xFFFFD880  }
0x31: {  	[bflag:$0x0] =	sbarrier.arrive $0xFFFF  }
0x32: {  	s29 =	simm.s32 $0x0;
	s30 =	smov.u32 s15;
	s31 =	simm.s32 $0x0  }
.LBB2_3:
0x33: {  	s0 =	sadd.s32 s30, s12  }
0x34: {  	s2 =	sand.u32 $0x300, s30;
	s0 =	sand.u32 $0x3FFC00, s0  }
0x35: {  	s18 =	sadd.s32 $0x3, s31;
	s0 =	sor.u32 s2, s0  }
0x36: {  	s23 =	sand.u32 $0x7, s18;
	s0 =	sshrl.u32 s0, $0x3  }
0x37: {  	s18 =	sshll.u32 s23, $0x8;
	s2 =	sadd.s32 $0x1, s23;
	s0 =	sadd.s32 s5, s0  }
0x38: {  	[tilespmem:s18], [sflag:s2] =	stream.linear.gather [hbm4b:s0+s4], $0x100, $0x38;
	[tilespmem:$0x1F800] =	vst v63  }
.LBB2_5:
0x39: {  	s0 =	sadd.s32 $0x2, s31  }
0x3a: {  	s2 =	sand.u32 $0xFF, s0  }
0x3b: {  	s2 =	smul.u32 $0xAB, s2;
	_ =	sdelay $0x1  }
0x3c: {  	s2 =	sshrl.u32 s2, $0x9  }
0x3d: {  	s2 =	smul.u32 $0x3, s2;
	_ =	sdelay $0x1  }
0x3e: {  	s2 =	ssub.s32 s0, s2  }
0x3f: {  	s0 =	sand.u32 $0x7, s0;
	s2 =	sand.u32 $0xFF, s2  }
0x40: {  	s18 =	sadd.s32 $0x1, s0;
	s21 =	smul.u32 $0xF000, s2  }
0x41: {  	_ =	swait.ge [sflag:s18], $0x100  }
0x42: {  	s0 =	sshll.u32 s0, $0x8;
	[sflag:s18] =	ssyncset.done $0x0;
	s23 =	sshrl.u32 s21, $0x2  }
0x43: {  	s2 =	sadd.s32 $0x9, s2;
	[sflag:s18] =	ssyncadd.s32 $0xFFFFFF00;
	s18 =	sadd.s32 $0x800, s23  }
0x44: {  	[tilespmem:s18], [sflag:s2] =	stream.indirect.gather [hbm4b:s1+s20], $0x80, s0, s20, $0xb8;
	[tilespmem:$0x1F800] =	vst v63  }
.LBB2_6:
0x45: {  	s31 =	sadd.s32 $0x1, s31  }
0x46: {  	p0 =	sne.s32 s31, $0xA7  }
.Ltmp3:
0x47: {  	_ = 	snop;
	(pc) =	sbr.rel @!p0 .LBB2_7-.Ltmp3, $2  }
0x48: {  	_ =	sdelay $0x2  }
0x49: {  	s30 =	sadd.s32 $0x100, s30;
	s29 =	sadd.s32 $0x400, s29  }
.LBB2_2:
0x4a: {  	s0 =	smul.u32 $0xAB, s31;
	_ =	sdelay $0x1  }
0x4b: {  	s0 =	sshrl.u32 s0, $0x9  }
0x4c: {  	s0 =	sand.u32 $0x7F, s0  }
0x4d: {  	s0 =	smul.u32 $0x3, s0;
	_ =	sdelay $0x1  }
0x4e: {  	p0 =	seq.s32 s31, $0x0;
	s0 =	ssub.s32 s31, s0  }
0x4f: {  	s18 =	sadd.s32 @!p0 $0xFFFFFFFF, s31;
	s0 =	sand.u32 $0xFF, s0  }
0x50: {  	s23 =	sand.u32 @!p0 $0xFF, s18;
	s2 =	sadd.s32 $0x9, s0  }
0x51: {  	s23 =	smul.u32 @!p0 $0xAB, s23;
	_ =	swait.ge [sflag:s2], $0x3C00  }
0x52: {  	p1 =	sgt.u32 @!p0 s31, $0xA3;
	s21 =	smul.u32 $0xF000, s0;
	[sflag:s2] =	ssyncset.done $0x0  }
0x53: {  	s23 =	sshrl.u32 @!p0 s23, $0x9;
	[sflag:s2] =	ssyncadd.s32 $0xFFFFC400;
	s2 =	sand.u32 $0x1C00, s29  }
0x54: {  	s23 =	smul.u32 @!p0 $0x3, s23;
	s21 =	sshrl.u32 s21, $0x2;
	s2 =	sshrl.u32 s2, $0x2  }
0x55: {  	s0 =	sor.u32 $0xC, s0;
	s21 =	sadd.s32 $0x800, s21;
	s2 =	sor.u32 $0x80, s2  }
0x56: {  	[spmem:s3] =	stream.indirect.scatter.add.f32 [tilespmem:s21], [sflag:s0], $0x80, s2, s20, $0xb8;
	[tilespmem:$0x1F800] =	vst v63  }
0x57: {  	p1 =	por p0, !p1;
	s0 =	ssub.s32 @!p0 s18, s23  }
.Ltmp4:
0x58: {  	s0 =	sor.u32 @!p0 $0xC, s0;
	(pc) =	sbr.rel @p1 .LBB2_3-.Ltmp4, $4  }
0x59: {  	s0 =	sand.u32 @!p0 $0xFF, s0  }
0x5a: {  	_ =	swait.ge @!p0 [sflag:s0], $0x3C00  }
0x5b: {  	[sflag:s0] =	ssyncset.done @!p0 $0x0  }
0x5c: {  	[sflag:s0] =	ssyncadd.s32 @!p0 $0xFFFFC400  }
0x5d: {  	p0 =	sne.s32 s31, $0xA4  }
.Ltmp5:
0x5e: {  	_ = 	snop;
	(pc) =	sbr.rel @p0 .LBB2_6-.Ltmp5, $4  }
.Ltmp6:
0x5f: {  	_ = 	snop;
	(pc) =	sbr.rel @!p0 .LBB2_5-.Ltmp6, $4  }
0x60: {  	_ = 	snop  }
0x61: {  	_ = 	snop  }
0x62: {  	_ = 	snop  }
0x63: {  	_ = 	snop  }
.LBB2_8:
0x64: {  	_ =	sfence.sel $0x180000  }
0x65: {  	[bflag:$0x0] =	sbarrier.arrive $0xFFFF  }
0x66: {  	_ =	strace $0x9000004A  }
0x67: {  	s0 =	stileid.u32;
	[bflag:$0x2] =	sbarrier.arrive $0xFFFF  }
0x68: {  	p0 =	sne.s32 s0, $0x0;
	s0 =	rddreg [dreg:$0x3]  }
0x69: {  	s0 =	sadd.s32 @!p0 $0x100000, s0  }
0x6a: {  	[sflag:s0] =	ssyncadd.tile.s32 @!p0 $0x1;
	_ =	shalt  }
.Lfunc_end2:
_tile_overlayer_lowered:
.L_overlay_start_2:
0x6b: {  	(tag) =	ssettag $0x2  }
0x6c: {  	s0 =	rddreg [dreg:$0x0];
	s2 =	stileid.u32  }
0x6d: {  	s1 =	rddreg [dreg:$0x1];
	p0 =	sne.s32 s2, $0x0  }
0x6e: {  	s3 =	rddreg [dreg:$0x2];
	[bflag:$0x3] =	sbarrier.arrive $0xFFFF;
	s2 =	simm.s32 @!p0 $0x1C0F  }
0x6f: {  	[timem:s3], [sflag:s2] =	dma.local @!p0 [hbm:s0], s1  }
0x70: {  	s0 =	simm.s32 @!p0 $0xF  }
0x71: {  	_ =	swait.ge @!p0 [sflag:s0], s1  }
0x72: {  	s1 =	ssub.s32 @!p0 $0x0, s1;
	[sflag:s0] =	ssyncset.done @!p0 $0x0  }
0x73: {  	[sflag:s0] =	ssyncadd.s32 @!p0 s1  }
0x74: {  	[bflag:$0x3] =	sbarrier.arrive $0xFFFF  }
0x75: {  	_ =	shalt  }

// kernel: kernel.18.cloned.1.call-start
scs
__scs_entry_jumppad:
0x0: {  	(pc) =	sbr.rel $0x88, $3  }
0x1: {  	(tag) =	ssettag $0x0;
	lr =	simm.s32 $0x1  }
0x2: {  	[smem:$0x3F94] =	sst lr;
	_ =	strace $0xD0000000  }
0x3: {  	_ = 	snop  }
0x4: {  	_ = 	snop  }
0x5: {  	_ = 	snop  }
0x6: {  	_ = 	snop  }
0x7: {  	_ = 	snop  }
__scs_overlays_trampoline_lowered:
0x8: {  	[smem:$0x3FA3] =	sst s0  }
0x9: {  	[smem:$0x3FA4] =	sst s1  }
0xa: {  	[smem:$0x3FA5] =	sst s2  }
0xb: {  	[smem:$0x3FA6] =	sst s3  }
0xc: {  	[smem:$0x3FA7] =	sst s4  }
0xd: {  	[smem:$0x3FA8] =	sst s5  }
0xe: {  	[smem:$0x3FA9] =	sst s6  }
0xf: {  	[smem:$0x3FAA] =	sst s7  }
0x10: {  	[smem:$0x3FAB] =	sst s8  }
0x11: {  	[smem:$0x3FAC] =	sst s9;
	s0 =	simm.s32 @!p0 $0x0  }
0x12: {  	s1 =	sld [smem:$0x3F92];
	s0 =	simm.s32 @p0 $0x1  }
0x13: {  	[smem:$0x3FAD] =	sst s0;
	s0 =	simm.s32 @!p1 $0x0  }
0x14: {  	s2 =	sld [smem:$0x3F91];
	s0 =	simm.s32 @p1 $0x1  }
0x15: {  	[smem:$0x3FAE] =	sst s0;
	s0 =	simm.s32 @!p2 $0x0  }
0x16: {  	s3 =	sld [smem:$0x3FDB];
	s0 =	simm.s32 @p2 $0x1  }
0x17: {  	s4 =	simm.s32 $0x1BF5;
	[smem:$0x3FB0] =	sst s0  }
0x18: {  	s0 =	sld [smem:$0x3F93];
	_ =	swait.ge [sflag:s4], $0x0  }
0x19: {  	s7 =	sld [smem:$0x3F94]  }
0x1a: {  	s8 =	sadd.s32 $0xFFFFE003, lr  }
0x1b: {  	s9 =	sadd.s32 $0xFFFFFEF7, lr;
	s5 =	simm.s32 $0xFFFFFFFF;
	p2 =	slt.u32 s8, $0xFFFFF086  }
0x1c: {  	p1 =	slt.u32 s9, $0xF7A;
	s5 =	simm.s32 @!p2 $0x0  }
0x1d: {  	s5 =	simm.s32 @p1 $0x1;
	p0 =	seq.s32 s7, s2  }
0x1e: {  	s7 =	smul.u32 @!p0 $0xF7A, s2;
	p2 =	seq.s32 @!p0 s5, $0x0  }
0x1f: {  	s9 =	smul.u32 $0xF7A, s1;
	s8 =	simm.s32 @!p0 $0x1BF5;
	p2 =	por !p2, p0  }
0x20: {  	[sflag:s8] =	ssyncset.s32 @!p0 $0xFFFFF086;
	s6 =	sadd.s32 @!p0 s3, s7;
	s7 =	simm.s32 @!p0 $0x108  }
0x21: {  	s3 =	sadd.s32 s3, s9;
	s6 =	sadd.s32 @!p0 $0x88, s6;
	s7 =	simm.s32 @p2 $0x1082  }
0x22: {  	[simem:s7], [sflag:s8] =	dma.local @!p0 [hbm:s6], $0xF7A  }
0x23: {  	s9 =	sor.u32 $0xD0000000, s2;
	s6 =	simm.s32 $0x108;
	_ =	swait.ge @!p0 [sflag:s8], $0x0  }
0x24: {  	s3 =	sadd.s32 $0x88, s3;
	s6 =	simm.s32 @!p1 $0x1082;
	[sflag:s4] =	ssyncset.s32 $0xFFFFF086  }
0x25: {  	[simem:s6], [sflag:s4] =	dma.local [hbm:s3], $0xF7A  }
0x26: {  	[smem:$0x3F94] =	sst s1;
	(tag) =	ssettag s2;
	_ =	strace s9  }
0x27: {  	s1 =	sld [smem:$0x3FA4]  }
0x28: {  	s2 =	sld [smem:$0x3FA5]  }
0x29: {  	s4 =	sld [smem:$0x3FA7]  }
0x2a: {  	p0 =	seq.s32 s5, $0x0;
	s5 =	sld [smem:$0x3FA8]  }
0x2b: {  	s6 =	sld [smem:$0x3FA9]  }
0x2c: {  	s7 =	sld [smem:$0x3FAA]  }
0x2d: {  	s3 =	simm.s32 $0x108;
	s8 =	sld [smem:$0x3FAB]  }
0x2e: {  	s3 =	simm.s32 @!p0 $0x1082;
	s9 =	sld [smem:$0x3FAC]  }
0x2f: {  	lr =	sadd.s32 s0, s3;
	s0 =	sld [smem:$0x3FA3]  }
0x30: {  	s3 =	sld [smem:$0x3FA6]  }
0x31: {  	[smem:$0x3FAF] =	sst s10  }
0x32: {  	s10 =	sld [smem:$0x3FAD];
	_ =	sdelay $0x3  }
0x33: {  	p0 =	seq.s32 s10, $0x1;
	s10 =	sld [smem:$0x3FAF];
	_ =	sdelay $0x3  }
0x34: {  	[smem:$0x3FAF] =	sst s10  }
0x35: {  	s10 =	sld [smem:$0x3FAE];
	_ =	sdelay $0x3  }
0x36: {  	p1 =	seq.s32 s10, $0x1;
	s10 =	sld [smem:$0x3FAF];
	_ =	sdelay $0x3  }
0x37: {  	[smem:$0x3FAF] =	sst s10  }
0x38: {  	s10 =	sld [smem:$0x3FB0]  }
0x39: {  	_ = 	snop;
	(pc) =	sbr.ind lr, $3  }
0x3a: {  	_ = 	snop  }
0x3b: {  	_ = 	snop  }
0x3c: {  	p2 =	seq.s32 s10, $0x1;
	s10 =	sld [smem:$0x3FAF]  }
0x3d: {  	_ =	shalt  }
0x3e: {  	_ =	shalt  }
0x3f: {  	_ =	shalt  }
0x40: {  	_ =	shalt  }
0x41: {  	_ =	shalt  }
0x42: {  	_ =	shalt  }
0x43: {  	_ =	shalt  }
0x44: {  	_ =	shalt  }
0x45: {  	_ =	shalt  }
0x46: {  	_ =	shalt  }
0x47: {  	_ =	shalt  }
0x48: {  	_ =	shalt  }
0x49: {  	_ =	shalt  }
0x4a: {  	_ =	shalt  }
0x4b: {  	_ =	shalt  }
0x4c: {  	_ =	shalt  }
0x4d: {  	_ =	shalt  }
0x4e: {  	_ =	shalt  }
0x4f: {  	_ =	shalt  }
0x50: {  	_ =	shalt  }
0x51: {  	_ =	shalt  }
0x52: {  	_ =	shalt  }
0x53: {  	_ =	shalt  }
0x54: {  	_ =	shalt  }
0x55: {  	_ =	shalt  }
0x56: {  	_ =	shalt  }
0x57: {  	_ =	shalt  }
0x58: {  	_ =	shalt  }
0x59: {  	_ =	shalt  }
0x5a: {  	_ =	shalt  }
0x5b: {  	_ =	shalt  }
0x5c: {  	_ =	shalt  }
0x5d: {  	_ =	shalt  }
0x5e: {  	_ =	shalt  }
0x5f: {  	_ =	shalt  }
0x60: {  	_ =	shalt  }
0x61: {  	_ =	shalt  }
0x62: {  	_ =	shalt  }
0x63: {  	_ =	shalt  }
0x64: {  	_ =	shalt  }
0x65: {  	_ =	shalt  }
0x66: {  	_ =	shalt  }
0x67: {  	_ =	shalt  }
0x68: {  	_ =	shalt  }
0x69: {  	_ =	shalt  }
0x6a: {  	_ =	shalt  }
0x6b: {  	_ =	shalt  }
0x6c: {  	_ =	shalt  }
0x6d: {  	_ =	shalt  }
0x6e: {  	_ =	shalt  }
0x6f: {  	_ =	shalt  }
0x70: {  	_ =	shalt  }
0x71: {  	_ =	shalt  }
0x72: {  	_ =	shalt  }
0x73: {  	_ =	shalt  }
0x74: {  	_ =	shalt  }
0x75: {  	_ =	shalt  }
0x76: {  	_ =	shalt  }
0x77: {  	_ =	shalt  }
0x78: {  	_ =	shalt  }
0x79: {  	_ =	shalt  }
0x7a: {  	_ =	shalt  }
0x7b: {  	_ =	shalt  }
0x7c: {  	_ =	shalt  }
0x7d: {  	_ =	shalt  }
0x7e: {  	_ =	shalt  }
0x7f: {  	_ =	shalt  }
0x80: {  	_ =	shalt  }
0x81: {  	_ =	shalt  }
0x82: {  	_ =	shalt  }
0x83: {  	_ =	shalt  }
0x84: {  	_ =	shalt  }
0x85: {  	_ =	shalt  }
0x86: {  	_ =	shalt  }
0x87: {  	_ =	shalt  }
.Lfunc_end0:
.L_simem_size_0:
called_computation.2_lowered:
.L_overlay_start_0:
0x88: {  	s2 =	sld [smem:$0x3FD9]  }
0x89: {  	s3 =	sld [smem:$0x3FFE];
	_ =	sdelay $0x1  }
0x8a: {  	s1 =	srdreg.scid  }
0x8b: {  	s0 =	sand.u32 $0x1, s1  }
0x8c: {  	s17 =	sshll.u32 s0, $0xA;
	s2 =	sadd.s32 s3, s2  }
0x8d: {  	s2 =	sadd.s32 s2, s17  }
0x8e: {  	[smem:$0x3FBB] =	sst s2  }
0x8f: {  	_ = 	snop  }
0x90: {  	s2 =	sld [smem:$0x3FD0];
	(tm) =	ssettm $0x1  }
0x91: {  	s18 =	sld [smem:$0x3FFB];
	_ =	sdelay $0x3  }
0x92: {  	_ =	strace s18  }
0x93: {  	s3 =	sld [smem:$0x3FFC];
	_ =	sdelay $0x3  }
0x94: {  	_ =	strace s3  }
0x95: {  	s3 =	sld [smem:$0x3FFD];
	_ =	sdelay $0x3  }
0x96: {  	_ =	strace s3  }
0x97: {  	_ =	strace $0x8FFFFFFF  }
0x98: {  	s19 =	sld [smem:$0x3FDB];
	_ =	sdelay $0x1  }
0x99: {  	s4 =	simm.s32 $_scs_section_size  }
0x9a: {  	s5 =	simm.s32 $_size__tile_overlayer_lowered;
	s6 =	simm.s32 $_tile_overlayer_lowered  }
0x9b: {  	s22 =	simm.s32 $0x1BFF;
	s21 =	sshll.u32 s6, $0x1;
	s3 =	sadd.s32 s4, s19  }
0x9c: {  	s7 =	simm.s32 $0x0;
	s20 =	sshll.u32 s5, $0x1;
	s5 =	sadd.s32 s21, s3  }
0x9d: {  	[timem:s7], [sflag:s22] =	dma.local [hbm:s5], s20  }
0x9e: {  	_ =	swait.ge [sflag:s22], s20  }
0x9f: {  	s4 =	ssub.s32 $0x0, s20;
	[sflag:s22] =	ssyncset.done $0x0  }
0xa0: {  	[sflag:s22] =	ssyncadd.s32 s4;
	_ =	sdelay $0x1  }
0xa1: {  	s23 =	simm.s32 $0x1B8B  }
0xa2: {  	_ =	swait.ge [sflag:s23], $0x1  }
0xa3: {  	[sflag:s23] =	ssyncset.done $0x0  }
0xa4: {  	s25 =	simm.s32 $0x1B8E;
	s24 =	sld [smem:$0x3FFE];
	[sflag:s23] =	ssyncadd.s32 $0xFFFFFFFF  }
0xa5: {  	s26 =	simm.s32 $execute0_lowered;
	[smem:$0x3FD2] =	sst s25  }
0xa6: {  	s5 =	sshll.u32 s26, $0x1;
	_ =	strace $0x8000004C;
	[dreg:$0x1] =	wrdreg $0xFFFFFFFF  }
0xa7: {  	s28 =	simm.s32 $_size_execute0_lowered;
	s3 =	sadd.s32 s3, s5;
	[dreg:$0x0] =	wrdreg $0x0  }
0xa8: {  	s5 =	sshll.u32 s28, $0x1;
	[dreg:$0x2] =	wrdreg s3  }
0xa9: {  	[dreg:$0x3] =	wrdreg s5  }
0xaa: {  	[dreg:$0x4] =	wrdreg $0xC0  }
0xab: {  	_ =	task [dreg:s7], $0x5FFFF  }
0xac: {  	[dreg:$0x1] =	wrdreg $0xFFFFFFFF  }
0xad: {  	[dreg:$0x0] =	wrdreg $0x60  }
0xae: {  	[dreg:$0x2] =	wrdreg s2  }
0xaf: {  	[dreg:$0x3] =	wrdreg s24  }
0xb0: {  	[dreg:$0x4] =	wrdreg $0xBC000  }
0xb1: {  	[dreg:$0x5] =	wrdreg $0x9  }
0xb2: {  	_ =	task.clear_ibuf [dreg:s7], $0x6FFFF;
	_ =	strace $0x9000004C  }
0xb3: {  	s29 =	simm.s32 $0x9;
	_ =	strace $0x8000004E  }
0xb4: {  	_ =	swait.ge [sflag:s29], $0x1  }
0xb5: {  	[sflag:s29] =	ssyncadd.s32 $0xFFFFFFFF  }
0xb6: {  	_ =	strace $0x9000004E  }
0xb7: {  	_ =	sfence  }
0xb8: {  	s30 =	sld [smem:$0x0];
	_ =	sdelay $0x2  }
0xb9: {  	s31 =	sshll.u32 s1, $0xD;
	s1 =	sshrl.u32 s1, $0x2  }
0xba: {  	s3 =	sand.u32 $0x4000, s31;
	s1 =	sadd.s32 s1, s30  }
0xbb: {  	s0 =	sor.u32 s3, s0;
	s1 =	sshll.u32 s1, $0x11  }
0xbc: {  	s0 =	sor.u32 s1, s0  }
0xbd: {  	s0 =	sadd.s32 $0x8F2B, s0  }
0xbe: {  	[sflag:s0] =	ssyncadd.remote.s32 $0x1  }
0xbf: {  	_ =	sfence.sel $0xFFFF  }
0xc0: {  	[dreg:$0x0] =	wrdreg $0xFFFFFFFF;
	(pc) =	sbr.abs _section_cstart, $3  }
0xc1: {  	[dreg:$0x1] =	wrdreg $0xFFFFFFFF  }
0xc2: {  	_ =	task.clear_ibuf [dreg:s7], $0x2FFFF;
	_ =	strace $0x9FFFFFFF  }
0xc3: {  	(tm) =	ssettm $0x7FFFFFFF  }
tec
execute0_lowered:
.L_overlay_start_1:
0x0: {  	(tag) =	ssettag $0x1  }
0x1: {  	s0 =	stileid.u32  }
0x2: {  	s1 =	rddreg [dreg:$0x0];
	s8 =	smul.u32 $0x2780, s0  }
0x3: {  	s7 =	rddreg [dreg:$0x1];
	s11 =	smul.u32 $0x14E, s0  }
0x4: {  	s3 =	rddreg [dreg:$0x2];
	s13 =	smul.u32 $0x4F000, s0  }
0x5: {  	s5 =	srdreg.scid;
	s4 =	simm.s32 $0x0;
	s16 =	smul.u32 $0x300, s0  }
0x6: {  	s20 =	simm.s32 $0x78;
	s12 =	sand.u32 $0x1, s5;
	s19 =	smul.u32 $0xA700, s0  }
0x7: {  	s28 =	simm.s32 $0x0;
	[smem:$0x7FF] =	sst s4;
	s9 =	smul.u32 $0x27800, s12  }
0x8: {  	s5 =	sadd.s32 $0x4400, s7;
	s6 =	sadd.s32 $0x2E000, s7;
	s10 =	smul.u32 $0x14E0, s12  }
0x9: {  	_ =	strace $0x8000004D;
	s22 =	ssub.s32 $0x2, s12;
	s12 =	smul.u32 $0xA7000, s12  }
0xa: {  	s14 =	sshrl.u32 s22, $0x1;
	s24 =	sshrl.u32 s13, $0x2;
	s25 =	sand.u32 $0x300, s16  }
0xb: {  	s30 =	sadd.s32 $0x2, s11;
	s8 =	sadd.s32 s8, s9;
	s15 =	sadd.s32 s11, s10  }
0xc: {  	s14 =	ssub.s32 s22, s14;
	s26 =	sadd.s32 s24, s3;
	s31 =	sadd.s32 s10, s30  }
0xd: {  	s13 =	sshll.u32 s30, $0x4;
	s11 =	sadd.s32 $0x4, s11;
	s22 =	simm.s32 $0x2  }
0xe: {  	s24 =	simm.s32 $0xC;
	s17 =	sadd.s32 s8, s7;
	s23 =	sshll.u32 s15, $0x7  }
0xf: {  	s15 =	sshll.u32 s31, $0x4;
	s13 =	sand.u32 $0x60, s13;
	s10 =	sadd.s32 s10, s11  }
0x10: {  	s11 =	sshll.u32 s11, $0x4;
	s14 =	smax.u32 s14, $0x1;
	s16 =	sshrl.u32 s26, $0x3  }
0x11: {  	s26 =	simm.s32 $0xF;
	s7 =	sand.u32 $0x1FFC00, s23;
	s15 =	sand.u32 $0x7FF80, s15  }
0x12: {  	s13 =	sadd.s32 s5, s13;
	s10 =	sshll.u32 s10, $0x4;
	s11 =	sand.u32 $0x60, s11  }
.Ltmp0:
0x13: {  	s29 =	sor.u32 s25, s7;
	s7 =	sshll.u32 s0, $0x6;
	(pc) =	sbr.rel .LBB2_1-.Ltmp0, $4  }
0x14: {  	s18 =	sand.u32 $0x7FF80, s10;
	s11 =	sadd.s32 s5, s11;
	s10 =	sadd.s32 s15, s13  }
0x15: {  	s13 =	sadd.s32 $0x30800, s17;
	s15 =	sadd.s32 $0x300, s19;
	s17 =	simm.s32 $0x100  }
0x16: {  	s19 =	simm.s32 $0x1;
	s25 =	simm.s32 $0xD;
	s9 =	sshrl.u32 s29, $0x3  }
0x17: {  	s8 =	sor.u32 $0x1C0C, s7;
	s11 =	sadd.s32 s18, s11;
	s9 =	sadd.s32 s5, s9  }
.LBB2_7:
0x18: {  	_ =	swait.ge [sflag:s25], $0x3C00  }
0x19: {  	s28 =	sadd.s32 $0x1, s28;
	[sflag:s25] =	ssyncset.done $0x0  }
0x1a: {  	p0 =	sne.s32 s28, s14;
	[sflag:s25] =	ssyncadd.s32 $0xFFFFC400  }
.Ltmp1:
0x1b: {  	s0 =	sor.u32 $0x1C0F, s7;
	[bflag:$0x0] =	sbarrier.arrive $0xFFFF;
	(pc) =	sbr.rel @!p0 .LBB2_8-.Ltmp1, $4  }
0x1c: {  	[hbm:s13], [sflag:s0] =	dma.local [spmem:s16], $0x2780  }
0x1d: {  	_ =	swait.ge [sflag:s26], $0x2780  }
0x1e: {  	[sflag:s26] =	ssyncset.done $0x0  }
0x1f: {  	[sflag:s26] =	ssyncadd.s32 $0xFFFFD880  }
.LBB2_1:
0x20: {  	[spmem:s16], [sflag:s8] =	dma.local [hbm:s6], $0x2780  }
0x21: {  	[tilespmem:s4], [sflag:$0x1] =	stream.linear.gather [hbm4b:s9+s4], $0x100, $0x38;
	[tilespmem:$0x1F800] =	vst v63  }
0x22: {  	_ = 	snop  }
0x23: {  	[tilespmem:s17], [sflag:$0x2] =	stream.linear.gather [hbm4b:s10+s4], $0x100, $0x38;
	[tilespmem:$0x1F800] =	vst v63  }
0x24: {  	s0 =	simm.s32 $0x200  }
0x25: {  	[tilespmem:s0], [sflag:$0x3] =	stream.linear.gather [hbm4b:s11+s4], $0x100, $0x38;
	[tilespmem:$0x1F800] =	vst v63  }
0x26: {  	_ =	swait.ge [sflag:s19], $0x100  }
0x27: {  	[sflag:s19] =	ssyncset.done $0x0  }
0x28: {  	s21 =	simm.s32 $0x800;
	[sflag:s19] =	ssyncadd.s32 $0xFFFFFF00  }
0x29: {  	[tilespmem:s21], [sflag:$0x9] =	stream.indirect.gather [hbm4b:s1+s20], $0x80, s4, s20, $0xb8;
	[tilespmem:$0x1F800] =	vst v63  }
0x2a: {  	_ =	swait.ge [sflag:s22], $0x100  }
0x2b: {  	[sflag:s22] =	ssyncset.done $0x0  }
0x2c: {  	s23 =	simm.s32 $0x4400;
	[sflag:s22] =	ssyncadd.s32 $0xFFFFFF00  }
0x2d: {  	[tilespmem:s23], [sflag:$0xA] =	stream.indirect.gather [hbm4b:s1+s20], $0x80, s17, s20, $0xb8;
	[tilespmem:$0x1F800] =	vst v63  }
.Ltmp2:
0x2e: {  	_ =	swait.ge [sflag:s24], $0x2780;
	(pc) =	sbr.rel .LBB2_2-.Ltmp2, $4  }
0x2f: {  	[sflag:s24] =	ssyncset.done $0x0  }
0x30: {  	[sflag:s24] =	ssyncadd.s32 $0xFFFFD880  }
0x31: {  	[bflag:$0x0] =	sbarrier.arrive $0xFFFF  }
0x32: {  	s29 =	simm.s32 $0x0;
	s30 =	smov.u32 s15;
	s31 =	simm.s32 $0x0  }
.LBB2_3:
0x33: {  	s0 =	sadd.s32 s30, s12  }
0x34: {  	s2 =	sand.u32 $0x300, s30;
	s0 =	sand.u32 $0x3FFC00, s0  }
0x35: {  	s18 =	sadd.s32 $0x3, s31;
	s0 =	sor.u32 s2, s0  }
0x36: {  	s23 =	sand.u32 $0x7, s18;
	s0 =	sshrl.u32 s0, $0x3  }
0x37: {  	s18 =	sshll.u32 s23, $0x8;
	s2 =	sadd.s32 $0x1, s23;
	s0 =	sadd.s32 s5, s0  }
0x38: {  	[tilespmem:s18], [sflag:s2] =	stream.linear.gather [hbm4b:s0+s4], $0x100, $0x38;
	[tilespmem:$0x1F800] =	vst v63  }
.LBB2_5:
0x39: {  	s0 =	sadd.s32 $0x2, s31  }
0x3a: {  	s2 =	sand.u32 $0xFF, s0  }
0x3b: {  	s2 =	smul.u32 $0xAB, s2;
	_ =	sdelay $0x1  }
0x3c: {  	s2 =	sshrl.u32 s2, $0x9  }
0x3d: {  	s2 =	smul.u32 $0x3, s2;
	_ =	sdelay $0x1  }
0x3e: {  	s2 =	ssub.s32 s0, s2  }
0x3f: {  	s0 =	sand.u32 $0x7, s0;
	s2 =	sand.u32 $0xFF, s2  }
0x40: {  	s18 =	sadd.s32 $0x1, s0;
	s21 =	smul.u32 $0xF000, s2  }
0x41: {  	_ =	swait.ge [sflag:s18], $0x100  }
0x42: {  	s0 =	sshll.u32 s0, $0x8;
	[sflag:s18] =	ssyncset.done $0x0;
	s23 =	sshrl.u32 s21, $0x2  }
0x43: {  	s2 =	sadd.s32 $0x9, s2;
	[sflag:s18] =	ssyncadd.s32 $0xFFFFFF00;
	s18 =	sadd.s32 $0x800, s23  }
0x44: {  	[tilespmem:s18], [sflag:s2] =	stream.indirect.gather [hbm4b:s1+s20], $0x80, s0, s20, $0xb8;
	[tilespmem:$0x1F800] =	vst v63  }
.LBB2_6:
0x45: {  	s31 =	sadd.s32 $0x1, s31  }
0x46: {  	p0 =	sne.s32 s31, $0xA7  }
.Ltmp3:
0x47: {  	_ = 	snop;
	(pc) =	sbr.rel @!p0 .LBB2_7-.Ltmp3, $2  }
0x48: {  	_ =	sdelay $0x2  }
0x49: {  	s30 =	sadd.s32 $0x100, s30;
	s29 =	sadd.s32 $0x400, s29  }
.LBB2_2:
0x4a: {  	s0 =	smul.u32 $0xAB, s31;
	_ =	sdelay $0x1  }
0x4b: {  	s0 =	sshrl.u32 s0, $0x9  }
0x4c: {  	s0 =	sand.u32 $0x7F, s0  }
0x4d: {  	s0 =	smul.u32 $0x3, s0;
	_ =	sdelay $0x1  }
0x4e: {  	p0 =	seq.s32 s31, $0x0;
	s0 =	ssub.s32 s31, s0  }
0x4f: {  	s18 =	sadd.s32 @!p0 $0xFFFFFFFF, s31;
	s0 =	sand.u32 $0xFF, s0  }
0x50: {  	s23 =	sand.u32 @!p0 $0xFF, s18;
	s2 =	sadd.s32 $0x9, s0  }
0x51: {  	s23 =	smul.u32 @!p0 $0xAB, s23;
	_ =	swait.ge [sflag:s2], $0x3C00  }
0x52: {  	p1 =	sgt.u32 @!p0 s31, $0xA3;
	s21 =	smul.u32 $0xF000, s0;
	[sflag:s2] =	ssyncset.done $0x0  }
0x53: {  	s23 =	sshrl.u32 @!p0 s23, $0x9;
	[sflag:s2] =	ssyncadd.s32 $0xFFFFC400;
	s2 =	sand.u32 $0x1C00, s29  }
0x54: {  	s23 =	smul.u32 @!p0 $0x3, s23;
	s21 =	sshrl.u32 s21, $0x2;
	s2 =	sshrl.u32 s2, $0x2  }
0x55: {  	s0 =	sor.u32 $0xC, s0;
	s21 =	sadd.s32 $0x800, s21;
	s2 =	sor.u32 $0x80, s2  }
0x56: {  	[spmem:s3] =	stream.indirect.scatter.add.f32 [tilespmem:s21], [sflag:s0], $0x80, s2, s20, $0xb8;
	[tilespmem:$0x1F800] =	vst v63  }
0x57: {  	p1 =	por p0, !p1;
	s0 =	ssub.s32 @!p0 s18, s23  }
.Ltmp4:
0x58: {  	s0 =	sor.u32 @!p0 $0xC, s0;
	(pc) =	sbr.rel @p1 .LBB2_3-.Ltmp4, $4  }
0x59: {  	s0 =	sand.u32 @!p0 $0xFF, s0  }
0x5a: {  	_ =	swait.ge @!p0 [sflag:s0], $0x3C00  }
0x5b: {  	[sflag:s0] =	ssyncset.done @!p0 $0x0  }
0x5c: {  	[sflag:s0] =	ssyncadd.s32 @!p0 $0xFFFFC400  }
0x5d: {  	p0 =	sne.s32 s31, $0xA4  }
.Ltmp5:
0x5e: {  	_ = 	snop;
	(pc) =	sbr.rel @p0 .LBB2_6-.Ltmp5, $4  }
.Ltmp6:
0x5f: {  	_ = 	snop;
	(pc) =	sbr.rel @!p0 .LBB2_5-.Ltmp6, $4  }
0x60: {  	_ = 	snop  }
0x61: {  	_ = 	snop  }
0x62: {  	_ = 	snop  }
0x63: {  	_ = 	snop  }
.LBB2_8:
0x64: {  	_ =	sfence.sel $0x180000  }
0x65: {  	[bflag:$0x0] =	sbarrier.arrive $0xFFFF  }
0x66: {  	_ =	strace $0x9000004D  }
0x67: {  	s0 =	stileid.u32;
	[bflag:$0x2] =	sbarrier.arrive $0xFFFF  }
0x68: {  	p0 =	sne.s32 s0, $0x0;
	s0 =	rddreg [dreg:$0x3]  }
0x69: {  	s0 =	sadd.s32 @!p0 $0x100000, s0  }
0x6a: {  	[sflag:s0] =	ssyncadd.tile.s32 @!p0 $0x1;
	_ =	shalt  }
.Lfunc_end2:
_tile_overlayer_lowered:
.L_overlay_start_2:
0x6b: {  	(tag) =	ssettag $0x2  }
0x6c: {  	s0 =	rddreg [dreg:$0x0];
	s2 =	stileid.u32  }
0x6d: {  	s1 =	rddreg [dreg:$0x1];
	p0 =	sne.s32 s2, $0x0  }
0x6e: {  	s3 =	rddreg [dreg:$0x2];
	[bflag:$0x3] =	sbarrier.arrive $0xFFFF;
	s2 =	simm.s32 @!p0 $0x1C0F  }
0x6f: {  	[timem:s3], [sflag:s2] =	dma.local @!p0 [hbm:s0], s1  }
0x70: {  	s0 =	simm.s32 @!p0 $0xF  }
0x71: {  	_ =	swait.ge @!p0 [sflag:s0], s1  }
0x72: {  	s1 =	ssub.s32 @!p0 $0x0, s1;
	[sflag:s0] =	ssyncset.done @!p0 $0x0  }
0x73: {  	[sflag:s0] =	ssyncadd.s32 @!p0 s1  }
0x74: {  	[bflag:$0x3] =	sbarrier.arrive $0xFFFF  }
0x75: {  	_ =	shalt  }

</sc_bundles>
